<compile_context>
chip_gen: v7x
topology: tpu7x:2x2x1
jax: 0.10.2.dev20260603
libtpu: 0.0.44.dev20260713+nightly
codegen_flags: <defaults>
</compile_context>

<pallas_src>
import functools

import jax
import jax.numpy as jnp
from jax import lax
from jax.experimental import pallas as pl
from jax.experimental.pallas import tpu as pltpu
from jax.experimental.pallas import tpu_sc as plsc

ROWS, COLS = 128, 8192
LANES = 16
NUM_CORES, NUM_SUBCORES = 2, 16
NUM_WORKERS = NUM_CORES * NUM_SUBCORES
ROWS_PER_WORKER = ROWS // NUM_WORKERS
NUM_CHUNKS = COLS // LANES
ACCS = 8


def _merge(a, b):
    m_a, p_a = a
    m_b, p_b = b
    take_b = (m_b > m_a) | ((m_b == m_a) & (p_b < p_a))
    return jnp.where(take_b, m_b, m_a), jnp.where(take_b, p_b, p_a)


def _row_argmax(row_ref, r, lane_iota):
    neg_inf = jnp.full((LANES,), -jnp.inf, jnp.float32)
    zero_i = jnp.zeros((LANES,), jnp.int32)
    init = tuple((neg_inf, zero_i) for _ in range(ACCS))

    @plsc.parallel_loop(0, NUM_CHUNKS, step=ACCS, carry=init)
    def accs(i, carry):
        out = []
        for k in range(ACCS):
            m, mi = carry[k]
            v = row_ref[r, pl.ds((i + k) * LANES, LANES)]
            gt = v > m
            jv = jnp.full((LANES,), i + k, jnp.int32)
            out.append((jnp.where(gt, v, m), jnp.where(gt, jv, mi)))
        return tuple(out)

    pairs = [(m, mi * LANES + lane_iota) for (m, mi) in accs]
    while len(pairs) > 1:
        pairs = [_merge(pairs[j], pairs[j + 1])
                 for j in range(0, len(pairs), 2)]
    m, pos = pairs[0]

    gmax = m
    for s in (1, 2, 4, 8):
        shuf = gmax.at[lane_iota ^ s].get(mode="promise_in_bounds")
        gmax = jnp.maximum(gmax, shuf)
    cand = jnp.where(m == gmax, pos, jnp.int32(COLS))
    for s in (1, 2, 4, 8):
        shuf = cand.at[lane_iota ^ s].get(mode="promise_in_bounds")
        cand = jnp.minimum(cand, shuf)
    return cand


def _argmax_onehot_body(in_hbm, out_hbm, ibuf, obuf, isem, osem):
    wid = lax.axis_index("s") * NUM_CORES + lax.axis_index("c")
    base = wid * ROWS_PER_WORKER
    lane_iota = lax.iota(jnp.int32, LANES)
    zeros_v = jnp.zeros((LANES,), jnp.float32)
    ones_v = jnp.ones((LANES,), jnp.float32)
    lane0 = lane_iota == 0

    prefetch = pltpu.async_copy(
        in_hbm.at[pl.ds(base, ROWS_PER_WORKER)], ibuf, isem)

    @plsc.parallel_loop(0, NUM_CHUNKS, step=1, unroll=4)
    def _zinit(j):
        for r in range(ROWS_PER_WORKER):
            obuf[r, pl.ds(j * LANES, LANES)] = zeros_v

    def _do_row(r, carry):
        idx_v = _row_argmax(ibuf, r, lane_iota)
        row_v = jnp.full((LANES,), r, jnp.int32)
        plsc.store_scatter(obuf, [row_v, idx_v], ones_v, mask=lane0)
        pltpu.async_copy(obuf.at[r], out_hbm.at[base + r], osem)
        return carry

    prefetch.wait()
    lax.fori_loop(0, ROWS_PER_WORKER, _do_row, 0)

    for r in range(ROWS_PER_WORKER):
        pltpu.make_async_copy(obuf.at[r], out_hbm.at[base + r], osem).wait()


@jax.jit
def kernel(inputs):
    mesh = plsc.VectorSubcoreMesh(
        core_axis_name="c", subcore_axis_name="s",
        num_cores=NUM_CORES, num_subcores=NUM_SUBCORES,
    )
    run = functools.partial(
        pl.kernel,
        out_type=jax.ShapeDtypeStruct((ROWS, COLS), jnp.float32),
        mesh=mesh,
        scratch_types=[
            pltpu.VMEM((ROWS_PER_WORKER, COLS), jnp.float32),
            pltpu.VMEM((ROWS_PER_WORKER, COLS), jnp.float32),
            pltpu.SemaphoreType.DMA,
            pltpu.SemaphoreType.DMA,
        ],
        compiler_params=pltpu.CompilerParams(needs_layout_passes=False),
    )(_argmax_onehot_body)
    return run(inputs)

# --- scband reference (transcript-rebuilt; emitter-appended) ---
"""Pipeline reference for scband-argmax-one-hot-48206712930446 (READ-ONLY COPY).

The authoritative reference and input builder live on the scoring server;
editing this copy changes nothing except your own understanding.
"""

import jax, jax.numpy as jnp
import numpy as np


def setup_inputs(seed: int = 0) -> dict:
    key = jax.random.key(seed)
    inputs = jax.random.normal(key, (128, 8192), dtype=jnp.float32)
    return {"inputs": inputs}


def reference(inputs):
    # classes = K.argmax(inputs, axis=-1); one_hot(classes, depth=last_dim)
    classes = jnp.argmax(inputs, axis=-1)
    depth = inputs.shape[-1]
    return jax.nn.one_hot(classes, depth, dtype=inputs.dtype)

if __name__ == "__main__":
    import jax
    _d = setup_inputs()
    print(jax.jit(kernel)(*tuple(_d.values())))

</pallas_src>

<mosaic_0001>
#map = affine_map<(d0, d1) -> (0, 0)>
module attributes {stable_mosaic.version = 14 : i64} {
  func.func @_argmax_onehot_body(%arg0: i32, %arg1: i32, %arg2: memref<128x8192xf32, #tpu.memory_space<hbm>>, %arg3: memref<128x8192xf32, #tpu.memory_space<hbm>>, %arg4: memref<4x8192xf32, #tpu.memory_space<vmem>>, %arg5: memref<4x8192xf32, #tpu.memory_space<vmem>>, %arg6: memref<!tpu.dma_semaphore, #tpu.memory_space<semaphore_mem>>, %arg7: memref<!tpu.dma_semaphore, #tpu.memory_space<semaphore_mem>>) attributes {dimension_semantics = [#tpu.dimension_semantics<core_parallel>, #tpu.dimension_semantics<subcore_parallel>], iteration_bounds = array<i64: 2, 16>, scalar_prefetch = 0 : i64, scratch_operands = 4 : i64, tpu.core_type = #tpu.core_type<sc_vector_subcore>, window_params = [{transform_indices = #map}, {transform_indices = #map}]} {
    %mul3A = arith.constant 2 : i32
    %mul3A_0 = arith.muli %arg1, %mul3A : i32
    %add3A = arith.addi %mul3A_0, %arg0 : i32
    %mul3A_1 = arith.constant 4 : i32
    %mul3A_2 = arith.muli %add3A, %mul3A_1 : i32
    %iota3A = tpu.iota {dimensions = array<i32: 0>} : vector<16xi32>
    %broadcast_in_dim3A = arith.constant 0.000000e+00 : f32
    %broadcast_in_dim3A_3 = vector.broadcast %broadcast_in_dim3A : f32 to vector<16xf32>
    %broadcast_in_dim3A_4 = arith.constant 1.000000e+00 : f32
    %broadcast_in_dim3A_5 = vector.broadcast %broadcast_in_dim3A_4 : f32 to vector<16xf32>
    %eq3A = arith.constant 0 : i32
    %eq3A_6 = vector.broadcast %eq3A : i32 to vector<16xi32>
    %eq3A_7 = arith.cmpi eq, %iota3A, %eq3A_6 : vector<16xi32>
    %dma_start3A = arith.constant 0 : i32
    %dma_start3A_8 = tpu.memref_slice %arg2[%mul3A_2, %dma_start3A] : memref<128x8192xf32, #tpu.memory_space<hbm>> -> memref<4x8192xf32, #tpu.memory_space<hbm>>
    %dma_start3A_9 = arith.constant 0 : i32
    %dma_start3A_10 = tpu.memref_slice %arg2[%mul3A_2, %dma_start3A_9] : memref<128x8192xf32, #tpu.memory_space<hbm>> -> memref<4x8192xf32, #tpu.memory_space<hbm>>
    tpu.enqueue_dma source(%dma_start3A_10 : memref<4x8192xf32, #tpu.memory_space<hbm>>) target(%arg4 : memref<4x8192xf32, #tpu.memory_space<vmem>>) target_semaphore(%arg6 : memref<!tpu.dma_semaphore, #tpu.memory_space<semaphore_mem>>)
    %parallel_loop3A = arith.constant 0 : i32
    %parallel_loop3A_11 = arith.constant 512 : i32
    %parallel_loop3A_12 = arith.constant 1 : i32
    scf.for %parallel_loop3A_81 = %parallel_loop3A to %parallel_loop3A_11 step %parallel_loop3A_12  : i32 {
      %parallel_loop3A_82 = arith.constant 16 : i32
      %parallel_loop3A_83 = arith.muli %parallel_loop3A_81, %parallel_loop3A_82 : i32
      %parallel_loop3A_84 = arith.constant 0 : i32
      %parallel_loop3A_85 = arith.index_cast %parallel_loop3A_84 : i32 to index
      %parallel_loop3A_86 = arith.index_cast %parallel_loop3A_83 : i32 to index
      %parallel_loop3A_87 = tpu.vector_load %arg5[%parallel_loop3A_85, %parallel_loop3A_86] {strides = array<i32>} : memref<4x8192xf32, #tpu.memory_space<vmem>>, vector<16xf32>,
      tpu.vector_store %arg5[%parallel_loop3A_85, %parallel_loop3A_86], %broadcast_in_dim3A_3 {strides = array<i32>} : memref<4x8192xf32, #tpu.memory_space<vmem>>, vector<16xf32>,
      %parallel_loop3A_88 = arith.constant 16 : i32
      %parallel_loop3A_89 = arith.muli %parallel_loop3A_81, %parallel_loop3A_88 : i32
      %parallel_loop3A_90 = arith.constant 1 : i32
      %parallel_loop3A_91 = arith.index_cast %parallel_loop3A_90 : i32 to index
      %parallel_loop3A_92 = arith.index_cast %parallel_loop3A_89 : i32 to index
      %parallel_loop3A_93 = tpu.vector_load %arg5[%parallel_loop3A_91, %parallel_loop3A_92] {strides = array<i32>} : memref<4x8192xf32, #tpu.memory_space<vmem>>, vector<16xf32>,
      tpu.vector_store %arg5[%parallel_loop3A_91, %parallel_loop3A_92], %broadcast_in_dim3A_3 {strides = array<i32>} : memref<4x8192xf32, #tpu.memory_space<vmem>>, vector<16xf32>,
      %parallel_loop3A_94 = arith.constant 16 : i32
      %parallel_loop3A_95 = arith.muli %parallel_loop3A_81, %parallel_loop3A_94 : i32
      %parallel_loop3A_96 = arith.constant 2 : i32
      %parallel_loop3A_97 = arith.index_cast %parallel_loop3A_96 : i32 to index
      %parallel_loop3A_98 = arith.index_cast %parallel_loop3A_95 : i32 to index
      %parallel_loop3A_99 = tpu.vector_load %arg5[%parallel_loop3A_97, %parallel_loop3A_98] {strides = array<i32>} : memref<4x8192xf32, #tpu.memory_space<vmem>>, vector<16xf32>,
      tpu.vector_store %arg5[%parallel_loop3A_97, %parallel_loop3A_98], %broadcast_in_dim3A_3 {strides = array<i32>} : memref<4x8192xf32, #tpu.memory_space<vmem>>, vector<16xf32>,
      %parallel_loop3A_100 = arith.constant 16 : i32
      %parallel_loop3A_101 = arith.muli %parallel_loop3A_81, %parallel_loop3A_100 : i32
      %parallel_loop3A_102 = arith.constant 3 : i32
      %parallel_loop3A_103 = arith.index_cast %parallel_loop3A_102 : i32 to index
      %parallel_loop3A_104 = arith.index_cast %parallel_loop3A_101 : i32 to index
      %parallel_loop3A_105 = tpu.vector_load %arg5[%parallel_loop3A_103, %parallel_loop3A_104] {strides = array<i32>} : memref<4x8192xf32, #tpu.memory_space<vmem>>, vector<16xf32>,
      tpu.vector_store %arg5[%parallel_loop3A_103, %parallel_loop3A_104], %broadcast_in_dim3A_3 {strides = array<i32>} : memref<4x8192xf32, #tpu.memory_space<vmem>>, vector<16xf32>,
    } {sc.loop_unroll_factor = 4 : i64, sc.parallel_access}
    %dma_wait3A = arith.constant 0 : i32
    %dma_wait3A_13 = tpu.memref_slice %arg2[%mul3A_2, %dma_wait3A] : memref<128x8192xf32, #tpu.memory_space<hbm>> -> memref<4x8192xf32, #tpu.memory_space<hbm>>
    %dma_wait3A_14 = arith.constant 0 : i32
    %dma_wait3A_15 = tpu.memref_slice %arg2[%mul3A_2, %dma_wait3A_14] : memref<128x8192xf32, #tpu.memory_space<hbm>> -> memref<4x8192xf32, #tpu.memory_space<hbm>>
    tpu.wait_dma2 semaphore(%arg6 : memref<!tpu.dma_semaphore, #tpu.memory_space<semaphore_mem>>) src(%dma_wait3A_15 : memref<4x8192xf32, #tpu.memory_space<hbm>>) dst(%arg4 : memref<4x8192xf32, #tpu.memory_space<vmem>>)
    %scan3A = arith.constant 0 : i32
    %scan3A_16 = arith.constant 0 : i32
    %scan3A_17 = arith.constant 4 : i32
    %scan3A_18 = arith.addi %scan3A_16, %scan3A_17 : i32
    %scan3A_19 = arith.constant 1 : i32
    scf.for %scan3A_81 = %scan3A_16 to %scan3A_18 step %scan3A_19  : i32 {
      %broadcast_in_dim3A_82 = arith.constant 0xFF800000 : f32
      %broadcast_in_dim3A_83 = vector.broadcast %broadcast_in_dim3A_82 : f32 to vector<16xf32>
      %broadcast_in_dim3A_84 = arith.constant 0 : i32
      %broadcast_in_dim3A_85 = vector.broadcast %broadcast_in_dim3A_84 : i32 to vector<16xi32>
      %parallel_loop3A_86 = arith.constant 0 : i32
      %parallel_loop3A_87 = arith.constant 512 : i32
      %parallel_loop3A_88 = arith.constant 8 : i32
      %parallel_loop3A_89:16 = scf.for %parallel_loop3A_291 = %parallel_loop3A_86 to %parallel_loop3A_87 step %parallel_loop3A_88 iter_args(%parallel_loop3A_292 = %broadcast_in_dim3A_83, %parallel_loop3A_293 = %broadcast_in_dim3A_85, %parallel_loop3A_294 = %broadcast_in_dim3A_83, %parallel_loop3A_295 = %broadcast_in_dim3A_85, %parallel_loop3A_296 = %broadcast_in_dim3A_83, %parallel_loop3A_297 = %broadcast_in_dim3A_85, %parallel_loop3A_298 = %broadcast_in_dim3A_83, %parallel_loop3A_299 = %broadcast_in_dim3A_85, %parallel_loop3A_300 = %broadcast_in_dim3A_83, %parallel_loop3A_301 = %broadcast_in_dim3A_85, %parallel_loop3A_302 = %broadcast_in_dim3A_83, %parallel_loop3A_303 = %broadcast_in_dim3A_85, %parallel_loop3A_304 = %broadcast_in_dim3A_83, %parallel_loop3A_305 = %broadcast_in_dim3A_85, %parallel_loop3A_306 = %broadcast_in_dim3A_83, %parallel_loop3A_307 = %broadcast_in_dim3A_85) -> (vector<16xf32>, vector<16xi32>, vector<16xf32>, vector<16xi32>, vector<16xf32>, vector<16xi32>, vector<16xf32>, vector<16xi32>, vector<16xf32>, vector<16xi32>, vector<16xf32>, vector<16xi32>, vector<16xf32>, vector<16xi32>, vector<16xf32>, vector<16xi32>)  : i32 {
        %parallel_loop3A_308 = arith.constant 0 : i32
        %parallel_loop3A_309 = arith.addi %parallel_loop3A_291, %parallel_loop3A_308 : i32
        %parallel_loop3A_310 = arith.constant 16 : i32
        %parallel_loop3A_311 = arith.muli %parallel_loop3A_309, %parallel_loop3A_310 : i32
        %parallel_loop3A_312 = arith.index_cast %scan3A_81 : i32 to index
        %parallel_loop3A_313 = arith.index_cast %parallel_loop3A_311 : i32 to index
        %parallel_loop3A_314 = tpu.vector_load %arg4[%parallel_loop3A_312, %parallel_loop3A_313] {strides = array<i32>} : memref<4x8192xf32, #tpu.memory_space<vmem>>, vector<16xf32>,
        %parallel_loop3A_315 = arith.cmpf ogt, %parallel_loop3A_314, %parallel_loop3A_292 : vector<16xf32>
        %parallel_loop3A_316 = arith.constant 0 : i32
        %parallel_loop3A_317 = arith.addi %parallel_loop3A_291, %parallel_loop3A_316 : i32
        %parallel_loop3A_318 = vector.broadcast %parallel_loop3A_317 : i32 to vector<16xi32>
        %parallel_loop3A_319 = arith.select %parallel_loop3A_315, %parallel_loop3A_314, %parallel_loop3A_292 : vector<16xi1>, vector<16xf32>
        %parallel_loop3A_320 = arith.select %parallel_loop3A_315, %parallel_loop3A_318, %parallel_loop3A_293 : vector<16xi1>, vector<16xi32>
        %parallel_loop3A_321 = arith.constant 1 : i32
        %parallel_loop3A_322 = arith.addi %parallel_loop3A_291, %parallel_loop3A_321 : i32
        %parallel_loop3A_323 = arith.constant 16 : i32
        %parallel_loop3A_324 = arith.muli %parallel_loop3A_322, %parallel_loop3A_323 : i32
        %parallel_loop3A_325 = arith.index_cast %scan3A_81 : i32 to index
        %parallel_loop3A_326 = arith.index_cast %parallel_loop3A_324 : i32 to index
        %parallel_loop3A_327 = tpu.vector_load %arg4[%parallel_loop3A_325, %parallel_loop3A_326] {strides = array<i32>} : memref<4x8192xf32, #tpu.memory_space<vmem>>, vector<16xf32>,
        %parallel_loop3A_328 = arith.cmpf ogt, %parallel_loop3A_327, %parallel_loop3A_294 : vector<16xf32>
        %parallel_loop3A_329 = arith.constant 1 : i32
        %parallel_loop3A_330 = arith.addi %parallel_loop3A_291, %parallel_loop3A_329 : i32
        %parallel_loop3A_331 = vector.broadcast %parallel_loop3A_330 : i32 to vector<16xi32>
        %parallel_loop3A_332 = arith.select %parallel_loop3A_328, %parallel_loop3A_327, %parallel_loop3A_294 : vector<16xi1>, vector<16xf32>
        %parallel_loop3A_333 = arith.select %parallel_loop3A_328, %parallel_loop3A_331, %parallel_loop3A_295 : vector<16xi1>, vector<16xi32>
        %parallel_loop3A_334 = arith.constant 2 : i32
        %parallel_loop3A_335 = arith.addi %parallel_loop3A_291, %parallel_loop3A_334 : i32
        %parallel_loop3A_336 = arith.constant 16 : i32
        %parallel_loop3A_337 = arith.muli %parallel_loop3A_335, %parallel_loop3A_336 : i32
        %parallel_loop3A_338 = arith.index_cast %scan3A_81 : i32 to index
        %parallel_loop3A_339 = arith.index_cast %parallel_loop3A_337 : i32 to index
        %parallel_loop3A_340 = tpu.vector_load %arg4[%parallel_loop3A_338, %parallel_loop3A_339] {strides = array<i32>} : memref<4x8192xf32, #tpu.memory_space<vmem>>, vector<16xf32>,
        %parallel_loop3A_341 = arith.cmpf ogt, %parallel_loop3A_340, %parallel_loop3A_296 : vector<16xf32>
        %parallel_loop3A_342 = arith.constant 2 : i32
        %parallel_loop3A_343 = arith.addi %parallel_loop3A_291, %parallel_loop3A_342 : i32
        %parallel_loop3A_344 = vector.broadcast %parallel_loop3A_343 : i32 to vector<16xi32>
        %parallel_loop3A_345 = arith.select %parallel_loop3A_341, %parallel_loop3A_340, %parallel_loop3A_296 : vector<16xi1>, vector<16xf32>
        %parallel_loop3A_346 = arith.select %parallel_loop3A_341, %parallel_loop3A_344, %parallel_loop3A_297 : vector<16xi1>, vector<16xi32>
        %parallel_loop3A_347 = arith.constant 3 : i32
        %parallel_loop3A_348 = arith.addi %parallel_loop3A_291, %parallel_loop3A_347 : i32
        %parallel_loop3A_349 = arith.constant 16 : i32
        %parallel_loop3A_350 = arith.muli %parallel_loop3A_348, %parallel_loop3A_349 : i32
        %parallel_loop3A_351 = arith.index_cast %scan3A_81 : i32 to index
        %parallel_loop3A_352 = arith.index_cast %parallel_loop3A_350 : i32 to index
        %parallel_loop3A_353 = tpu.vector_load %arg4[%parallel_loop3A_351, %parallel_loop3A_352] {strides = array<i32>} : memref<4x8192xf32, #tpu.memory_space<vmem>>, vector<16xf32>,
        %parallel_loop3A_354 = arith.cmpf ogt, %parallel_loop3A_353, %parallel_loop3A_298 : vector<16xf32>
        %parallel_loop3A_355 = arith.constant 3 : i32
        %parallel_loop3A_356 = arith.addi %parallel_loop3A_291, %parallel_loop3A_355 : i32
        %parallel_loop3A_357 = vector.broadcast %parallel_loop3A_356 : i32 to vector<16xi32>
        %parallel_loop3A_358 = arith.select %parallel_loop3A_354, %parallel_loop3A_353, %parallel_loop3A_298 : vector<16xi1>, vector<16xf32>
        %parallel_loop3A_359 = arith.select %parallel_loop3A_354, %parallel_loop3A_357, %parallel_loop3A_299 : vector<16xi1>, vector<16xi32>
        %parallel_loop3A_360 = arith.constant 4 : i32
        %parallel_loop3A_361 = arith.addi %parallel_loop3A_291, %parallel_loop3A_360 : i32
        %parallel_loop3A_362 = arith.constant 16 : i32
        %parallel_loop3A_363 = arith.muli %parallel_loop3A_361, %parallel_loop3A_362 : i32
        %parallel_loop3A_364 = arith.index_cast %scan3A_81 : i32 to index
        %parallel_loop3A_365 = arith.index_cast %parallel_loop3A_363 : i32 to index
        %parallel_loop3A_366 = tpu.vector_load %arg4[%parallel_loop3A_364, %parallel_loop3A_365] {strides = array<i32>} : memref<4x8192xf32, #tpu.memory_space<vmem>>, vector<16xf32>,
        %parallel_loop3A_367 = arith.cmpf ogt, %parallel_loop3A_366, %parallel_loop3A_300 : vector<16xf32>
        %parallel_loop3A_368 = arith.constant 4 : i32
        %parallel_loop3A_369 = arith.addi %parallel_loop3A_291, %parallel_loop3A_368 : i32
        %parallel_loop3A_370 = vector.broadcast %parallel_loop3A_369 : i32 to vector<16xi32>
        %parallel_loop3A_371 = arith.select %parallel_loop3A_367, %parallel_loop3A_366, %parallel_loop3A_300 : vector<16xi1>, vector<16xf32>
        %parallel_loop3A_372 = arith.select %parallel_loop3A_367, %parallel_loop3A_370, %parallel_loop3A_301 : vector<16xi1>, vector<16xi32>
        %parallel_loop3A_373 = arith.constant 5 : i32
        %parallel_loop3A_374 = arith.addi %parallel_loop3A_291, %parallel_loop3A_373 : i32
        %parallel_loop3A_375 = arith.constant 16 : i32
        %parallel_loop3A_376 = arith.muli %parallel_loop3A_374, %parallel_loop3A_375 : i32
        %parallel_loop3A_377 = arith.index_cast %scan3A_81 : i32 to index
        %parallel_loop3A_378 = arith.index_cast %parallel_loop3A_376 : i32 to index
        %parallel_loop3A_379 = tpu.vector_load %arg4[%parallel_loop3A_377, %parallel_loop3A_378] {strides = array<i32>} : memref<4x8192xf32, #tpu.memory_space<vmem>>, vector<16xf32>,
        %parallel_loop3A_380 = arith.cmpf ogt, %parallel_loop3A_379, %parallel_loop3A_302 : vector<16xf32>
        %parallel_loop3A_381 = arith.constant 5 : i32
        %parallel_loop3A_382 = arith.addi %parallel_loop3A_291, %parallel_loop3A_381 : i32
        %parallel_loop3A_383 = vector.broadcast %parallel_loop3A_382 : i32 to vector<16xi32>
        %parallel_loop3A_384 = arith.select %parallel_loop3A_380, %parallel_loop3A_379, %parallel_loop3A_302 : vector<16xi1>, vector<16xf32>
        %parallel_loop3A_385 = arith.select %parallel_loop3A_380, %parallel_loop3A_383, %parallel_loop3A_303 : vector<16xi1>, vector<16xi32>
        %parallel_loop3A_386 = arith.constant 6 : i32
        %parallel_loop3A_387 = arith.addi %parallel_loop3A_291, %parallel_loop3A_386 : i32
        %parallel_loop3A_388 = arith.constant 16 : i32
        %parallel_loop3A_389 = arith.muli %parallel_loop3A_387, %parallel_loop3A_388 : i32
        %parallel_loop3A_390 = arith.index_cast %scan3A_81 : i32 to index
        %parallel_loop3A_391 = arith.index_cast %parallel_loop3A_389 : i32 to index
        %parallel_loop3A_392 = tpu.vector_load %arg4[%parallel_loop3A_390, %parallel_loop3A_391] {strides = array<i32>} : memref<4x8192xf32, #tpu.memory_space<vmem>>, vector<16xf32>,
        %parallel_loop3A_393 = arith.cmpf ogt, %parallel_loop3A_392, %parallel_loop3A_304 : vector<16xf32>
        %parallel_loop3A_394 = arith.constant 6 : i32
        %parallel_loop3A_395 = arith.addi %parallel_loop3A_291, %parallel_loop3A_394 : i32
        %parallel_loop3A_396 = vector.broadcast %parallel_loop3A_395 : i32 to vector<16xi32>
        %parallel_loop3A_397 = arith.select %parallel_loop3A_393, %parallel_loop3A_392, %parallel_loop3A_304 : vector<16xi1>, vector<16xf32>
        %parallel_loop3A_398 = arith.select %parallel_loop3A_393, %parallel_loop3A_396, %parallel_loop3A_305 : vector<16xi1>, vector<16xi32>
        %parallel_loop3A_399 = arith.constant 7 : i32
        %parallel_loop3A_400 = arith.addi %parallel_loop3A_291, %parallel_loop3A_399 : i32
        %parallel_loop3A_401 = arith.constant 16 : i32
        %parallel_loop3A_402 = arith.muli %parallel_loop3A_400, %parallel_loop3A_401 : i32
        %parallel_loop3A_403 = arith.index_cast %scan3A_81 : i32 to index
        %parallel_loop3A_404 = arith.index_cast %parallel_loop3A_402 : i32 to index
        %parallel_loop3A_405 = tpu.vector_load %arg4[%parallel_loop3A_403, %parallel_loop3A_404] {strides = array<i32>} : memref<4x8192xf32, #tpu.memory_space<vmem>>, vector<16xf32>,
        %parallel_loop3A_406 = arith.cmpf ogt, %parallel_loop3A_405, %parallel_loop3A_306 : vector<16xf32>
        %parallel_loop3A_407 = arith.constant 7 : i32
        %parallel_loop3A_408 = arith.addi %parallel_loop3A_291, %parallel_loop3A_407 : i32
        %parallel_loop3A_409 = vector.broadcast %parallel_loop3A_408 : i32 to vector<16xi32>
        %parallel_loop3A_410 = arith.select %parallel_loop3A_406, %parallel_loop3A_405, %parallel_loop3A_306 : vector<16xi1>, vector<16xf32>
        %parallel_loop3A_411 = arith.select %parallel_loop3A_406, %parallel_loop3A_409, %parallel_loop3A_307 : vector<16xi1>, vector<16xi32>
        scf.yield %parallel_loop3A_319, %parallel_loop3A_320, %parallel_loop3A_332, %parallel_loop3A_333, %parallel_loop3A_345, %parallel_loop3A_346, %parallel_loop3A_358, %parallel_loop3A_359, %parallel_loop3A_371, %parallel_loop3A_372, %parallel_loop3A_384, %parallel_loop3A_385, %parallel_loop3A_397, %parallel_loop3A_398, %parallel_loop3A_410, %parallel_loop3A_411 : vector<16xf32>, vector<16xi32>, vector<16xf32>, vector<16xi32>, vector<16xf32>, vector<16xi32>, vector<16xf32>, vector<16xi32>, vector<16xf32>, vector<16xi32>, vector<16xf32>, vector<16xi32>, vector<16xf32>, vector<16xi32>, vector<16xf32>, vector<16xi32>
      } {sc.loop_unroll_factor = 1 : i64, sc.parallel_access}
      %mul3A_90 = arith.constant 16 : i32
      %mul3A_91 = vector.broadcast %mul3A_90 : i32 to vector<16xi32>
      %mul3A_92 = arith.muli %parallel_loop3A_89#1, %mul3A_91 : vector<16xi32>
      %add3A_93 = arith.addi %mul3A_92, %iota3A : vector<16xi32>
      %mul3A_94 = arith.constant 16 : i32
      %mul3A_95 = vector.broadcast %mul3A_94 : i32 to vector<16xi32>
      %mul3A_96 = arith.muli %parallel_loop3A_89#3, %mul3A_95 : vector<16xi32>
      %add3A_97 = arith.addi %mul3A_96, %iota3A : vector<16xi32>
      %mul3A_98 = arith.constant 16 : i32
      %mul3A_99 = vector.broadcast %mul3A_98 : i32 to vector<16xi32>
      %mul3A_100 = arith.muli %parallel_loop3A_89#5, %mul3A_99 : vector<16xi32>
      %add3A_101 = arith.addi %mul3A_100, %iota3A : vector<16xi32>
      %mul3A_102 = arith.constant 16 : i32
      %mul3A_103 = vector.broadcast %mul3A_102 : i32 to vector<16xi32>
      %mul3A_104 = arith.muli %parallel_loop3A_89#7, %mul3A_103 : vector<16xi32>
      %add3A_105 = arith.addi %mul3A_104, %iota3A : vector<16xi32>
      %mul3A_106 = arith.constant 16 : i32
      %mul3A_107 = vector.broadcast %mul3A_106 : i32 to vector<16xi32>
      %mul3A_108 = arith.muli %parallel_loop3A_89#9, %mul3A_107 : vector<16xi32>
      %add3A_109 = arith.addi %mul3A_108, %iota3A : vector<16xi32>
      %mul3A_110 = arith.constant 16 : i32
      %mul3A_111 = vector.broadcast %mul3A_110 : i32 to vector<16xi32>
      %mul3A_112 = arith.muli %parallel_loop3A_89#11, %mul3A_111 : vector<16xi32>
      %add3A_113 = arith.addi %mul3A_112, %iota3A : vector<16xi32>
      %mul3A_114 = arith.constant 16 : i32
      %mul3A_115 = vector.broadcast %mul3A_114 : i32 to vector<16xi32>
      %mul3A_116 = arith.muli %parallel_loop3A_89#13, %mul3A_115 : vector<16xi32>
      %add3A_117 = arith.addi %mul3A_116, %iota3A : vector<16xi32>
      %mul3A_118 = arith.constant 16 : i32
      %mul3A_119 = vector.broadcast %mul3A_118 : i32 to vector<16xi32>
      %mul3A_120 = arith.muli %parallel_loop3A_89#15, %mul3A_119 : vector<16xi32>
      %add3A_121 = arith.addi %mul3A_120, %iota3A : vector<16xi32>
      %gt3A = arith.cmpf ogt, %parallel_loop3A_89#2, %parallel_loop3A_89#0 : vector<16xf32>
      %eq3A_122 = arith.cmpf oeq, %parallel_loop3A_89#2, %parallel_loop3A_89#0 : vector<16xf32>
      %lt3A = arith.cmpi slt, %add3A_97, %add3A_93 : vector<16xi32>
      %and3A = arith.andi %eq3A_122, %lt3A : vector<16xi1>
      %or3A = arith.ori %gt3A, %and3A : vector<16xi1>
      %select_n3A = arith.select %or3A, %parallel_loop3A_89#2, %parallel_loop3A_89#0 : vector<16xi1>, vector<16xf32>
      %select_n3A_123 = arith.select %or3A, %add3A_97, %add3A_93 : vector<16xi1>, vector<16xi32>
      %gt3A_124 = arith.cmpf ogt, %parallel_loop3A_89#6, %parallel_loop3A_89#4 : vector<16xf32>
      %eq3A_125 = arith.cmpf oeq, %parallel_loop3A_89#6, %parallel_loop3A_89#4 : vector<16xf32>
      %lt3A_126 = arith.cmpi slt, %add3A_105, %add3A_101 : vector<16xi32>
      %and3A_127 = arith.andi %eq3A_125, %lt3A_126 : vector<16xi1>
      %or3A_128 = arith.ori %gt3A_124, %and3A_127 : vector<16xi1>
      %select_n3A_129 = arith.select %or3A_128, %parallel_loop3A_89#6, %parallel_loop3A_89#4 : vector<16xi1>, vector<16xf32>
      %select_n3A_130 = arith.select %or3A_128, %add3A_105, %add3A_101 : vector<16xi1>, vector<16xi32>
      %gt3A_131 = arith.cmpf ogt, %parallel_loop3A_89#10, %parallel_loop3A_89#8 : vector<16xf32>
      %eq3A_132 = arith.cmpf oeq, %parallel_loop3A_89#10, %parallel_loop3A_89#8 : vector<16xf32>
      %lt3A_133 = arith.cmpi slt, %add3A_113, %add3A_109 : vector<16xi32>
      %and3A_134 = arith.andi %eq3A_132, %lt3A_133 : vector<16xi1>
      %or3A_135 = arith.ori %gt3A_131, %and3A_134 : vector<16xi1>
      %select_n3A_136 = arith.select %or3A_135, %parallel_loop3A_89#10, %parallel_loop3A_89#8 : vector<16xi1>, vector<16xf32>
      %select_n3A_137 = arith.select %or3A_135, %add3A_113, %add3A_109 : vector<16xi1>, vector<16xi32>
      %gt3A_138 = arith.cmpf ogt, %parallel_loop3A_89#14, %parallel_loop3A_89#12 : vector<16xf32>
      %eq3A_139 = arith.cmpf oeq, %parallel_loop3A_89#14, %parallel_loop3A_89#12 : vector<16xf32>
      %lt3A_140 = arith.cmpi slt, %add3A_121, %add3A_117 : vector<16xi32>
      %and3A_141 = arith.andi %eq3A_139, %lt3A_140 : vector<16xi1>
      %or3A_142 = arith.ori %gt3A_138, %and3A_141 : vector<16xi1>
      %select_n3A_143 = arith.select %or3A_142, %parallel_loop3A_89#14, %parallel_loop3A_89#12 : vector<16xi1>, vector<16xf32>
      %select_n3A_144 = arith.select %or3A_142, %add3A_121, %add3A_117 : vector<16xi1>, vector<16xi32>
      %gt3A_145 = arith.cmpf ogt, %select_n3A_129, %select_n3A : vector<16xf32>
      %eq3A_146 = arith.cmpf oeq, %select_n3A_129, %select_n3A : vector<16xf32>
      %lt3A_147 = arith.cmpi slt, %select_n3A_130, %select_n3A_123 : vector<16xi32>
      %and3A_148 = arith.andi %eq3A_146, %lt3A_147 : vector<16xi1>
      %or3A_149 = arith.ori %gt3A_145, %and3A_148 : vector<16xi1>
      %select_n3A_150 = arith.select %or3A_149, %select_n3A_129, %select_n3A : vector<16xi1>, vector<16xf32>
      %select_n3A_151 = arith.select %or3A_149, %select_n3A_130, %select_n3A_123 : vector<16xi1>, vector<16xi32>
      %gt3A_152 = arith.cmpf ogt, %select_n3A_143, %select_n3A_136 : vector<16xf32>
      %eq3A_153 = arith.cmpf oeq, %select_n3A_143, %select_n3A_136 : vector<16xf32>
      %lt3A_154 = arith.cmpi slt, %select_n3A_144, %select_n3A_137 : vector<16xi32>
      %and3A_155 = arith.andi %eq3A_153, %lt3A_154 : vector<16xi1>
      %or3A_156 = arith.ori %gt3A_152, %and3A_155 : vector<16xi1>
      %select_n3A_157 = arith.select %or3A_156, %select_n3A_143, %select_n3A_136 : vector<16xi1>, vector<16xf32>
      %select_n3A_158 = arith.select %or3A_156, %select_n3A_144, %select_n3A_137 : vector<16xi1>, vector<16xi32>
      %gt3A_159 = arith.cmpf ogt, %select_n3A_157, %select_n3A_150 : vector<16xf32>
      %eq3A_160 = arith.cmpf oeq, %select_n3A_157, %select_n3A_150 : vector<16xf32>
      %lt3A_161 = arith.cmpi slt, %select_n3A_158, %select_n3A_151 : vector<16xi32>
      %and3A_162 = arith.andi %eq3A_160, %lt3A_161 : vector<16xi1>
      %or3A_163 = arith.ori %gt3A_159, %and3A_162 : vector<16xi1>
      %select_n3A_164 = arith.select %or3A_163, %select_n3A_157, %select_n3A_150 : vector<16xi1>, vector<16xf32>
      %select_n3A_165 = arith.select %or3A_163, %select_n3A_158, %select_n3A_151 : vector<16xi1>, vector<16xi32>
      %xor3A = arith.constant 1 : i32
      %xor3A_166 = vector.broadcast %xor3A : i32 to vector<16xi32>
      %xor3A_167 = arith.xori %iota3A, %xor3A_166 : vector<16xi32>
      %lt3A_168 = arith.constant 0 : i32
      %lt3A_169 = vector.broadcast %lt3A_168 : i32 to vector<16xi32>
      %lt3A_170 = arith.cmpi slt, %xor3A_167, %lt3A_169 : vector<16xi32>
      %add3A_171 = arith.constant 16 : i32
      %add3A_172 = vector.broadcast %add3A_171 : i32 to vector<16xi32>
      %add3A_173 = arith.addi %xor3A_167, %add3A_172 : vector<16xi32>
      %select_n3A_174 = arith.select %lt3A_170, %add3A_173, %xor3A_167 : vector<16xi1>, vector<16xi32>
      %broadcast_in_dim3A_175 = vector.shape_cast %select_n3A_174 : vector<16xi32> to vector<16x1xi32>
      %gather3A = vector.shape_cast %broadcast_in_dim3A_175 : vector<16x1xi32> to vector<16xi32>
      %gather3A_176 = tpu.dynamic_gather %select_n3A_164[%gather3A] in [0] : vector<16xf32>, vector<16xi32> -> vector<16xf32>
      %max3A = arith.maximumf %select_n3A_164, %gather3A_176 : vector<16xf32>
      %xor3A_177 = arith.constant 2 : i32
      %xor3A_178 = vector.broadcast %xor3A_177 : i32 to vector<16xi32>
      %xor3A_179 = arith.xori %iota3A, %xor3A_178 : vector<16xi32>
      %lt3A_180 = arith.constant 0 : i32
      %lt3A_181 = vector.broadcast %lt3A_180 : i32 to vector<16xi32>
      %lt3A_182 = arith.cmpi slt, %xor3A_179, %lt3A_181 : vector<16xi32>
      %add3A_183 = arith.constant 16 : i32
      %add3A_184 = vector.broadcast %add3A_183 : i32 to vector<16xi32>
      %add3A_185 = arith.addi %xor3A_179, %add3A_184 : vector<16xi32>
      %select_n3A_186 = arith.select %lt3A_182, %add3A_185, %xor3A_179 : vector<16xi1>, vector<16xi32>
      %broadcast_in_dim3A_187 = vector.shape_cast %select_n3A_186 : vector<16xi32> to vector<16x1xi32>
      %gather3A_188 = vector.shape_cast %broadcast_in_dim3A_187 : vector<16x1xi32> to vector<16xi32>
      %gather3A_189 = tpu.dynamic_gather %max3A[%gather3A_188] in [0] : vector<16xf32>, vector<16xi32> -> vector<16xf32>
      %max3A_190 = arith.maximumf %max3A, %gather3A_189 : vector<16xf32>
      %xor3A_191 = arith.constant 4 : i32
      %xor3A_192 = vector.broadcast %xor3A_191 : i32 to vector<16xi32>
      %xor3A_193 = arith.xori %iota3A, %xor3A_192 : vector<16xi32>
      %lt3A_194 = arith.constant 0 : i32
      %lt3A_195 = vector.broadcast %lt3A_194 : i32 to vector<16xi32>
      %lt3A_196 = arith.cmpi slt, %xor3A_193, %lt3A_195 : vector<16xi32>
      %add3A_197 = arith.constant 16 : i32
      %add3A_198 = vector.broadcast %add3A_197 : i32 to vector<16xi32>
      %add3A_199 = arith.addi %xor3A_193, %add3A_198 : vector<16xi32>
      %select_n3A_200 = arith.select %lt3A_196, %add3A_199, %xor3A_193 : vector<16xi1>, vector<16xi32>
      %broadcast_in_dim3A_201 = vector.shape_cast %select_n3A_200 : vector<16xi32> to vector<16x1xi32>
      %gather3A_202 = vector.shape_cast %broadcast_in_dim3A_201 : vector<16x1xi32> to vector<16xi32>
      %gather3A_203 = tpu.dynamic_gather %max3A_190[%gather3A_202] in [0] : vector<16xf32>, vector<16xi32> -> vector<16xf32>
      %max3A_204 = arith.maximumf %max3A_190, %gather3A_203 : vector<16xf32>
      %xor3A_205 = arith.constant 8 : i32
      %xor3A_206 = vector.broadcast %xor3A_205 : i32 to vector<16xi32>
      %xor3A_207 = arith.xori %iota3A, %xor3A_206 : vector<16xi32>
      %lt3A_208 = arith.constant 0 : i32
      %lt3A_209 = vector.broadcast %lt3A_208 : i32 to vector<16xi32>
      %lt3A_210 = arith.cmpi slt, %xor3A_207, %lt3A_209 : vector<16xi32>
      %add3A_211 = arith.constant 16 : i32
      %add3A_212 = vector.broadcast %add3A_211 : i32 to vector<16xi32>
      %add3A_213 = arith.addi %xor3A_207, %add3A_212 : vector<16xi32>
      %select_n3A_214 = arith.select %lt3A_210, %add3A_213, %xor3A_207 : vector<16xi1>, vector<16xi32>
      %broadcast_in_dim3A_215 = vector.shape_cast %select_n3A_214 : vector<16xi32> to vector<16x1xi32>
      %gather3A_216 = vector.shape_cast %broadcast_in_dim3A_215 : vector<16x1xi32> to vector<16xi32>
      %gather3A_217 = tpu.dynamic_gather %max3A_204[%gather3A_216] in [0] : vector<16xf32>, vector<16xi32> -> vector<16xf32>
      %max3A_218 = arith.maximumf %max3A_204, %gather3A_217 : vector<16xf32>
      %eq3A_219 = arith.cmpf oeq, %select_n3A_164, %max3A_218 : vector<16xf32>
      %jit3A = arith.constant 8192 : i32
      %broadcast_in_dim3A_220 = vector.broadcast %jit3A : i32 to vector<16xi32>
      %select_n3A_221 = arith.select %eq3A_219, %select_n3A_165, %broadcast_in_dim3A_220 : vector<16xi1>, vector<16xi32>
      %xor3A_222 = arith.constant 1 : i32
      %xor3A_223 = vector.broadcast %xor3A_222 : i32 to vector<16xi32>
      %xor3A_224 = arith.xori %iota3A, %xor3A_223 : vector<16xi32>
      %lt3A_225 = arith.constant 0 : i32
      %lt3A_226 = vector.broadcast %lt3A_225 : i32 to vector<16xi32>
      %lt3A_227 = arith.cmpi slt, %xor3A_224, %lt3A_226 : vector<16xi32>
      %add3A_228 = arith.constant 16 : i32
      %add3A_229 = vector.broadcast %add3A_228 : i32 to vector<16xi32>
      %add3A_230 = arith.addi %xor3A_224, %add3A_229 : vector<16xi32>
      %select_n3A_231 = arith.select %lt3A_227, %add3A_230, %xor3A_224 : vector<16xi1>, vector<16xi32>
      %broadcast_in_dim3A_232 = vector.shape_cast %select_n3A_231 : vector<16xi32> to vector<16x1xi32>
      %gather3A_233 = vector.shape_cast %broadcast_in_dim3A_232 : vector<16x1xi32> to vector<16xi32>
      %gather3A_234 = tpu.dynamic_gather %select_n3A_221[%gather3A_233] in [0] : vector<16xi32>, vector<16xi32> -> vector<16xi32>
      %min3A = arith.minsi %select_n3A_221, %gather3A_234 : vector<16xi32>
      %xor3A_235 = arith.constant 2 : i32
      %xor3A_236 = vector.broadcast %xor3A_235 : i32 to vector<16xi32>
      %xor3A_237 = arith.xori %iota3A, %xor3A_236 : vector<16xi32>
      %lt3A_238 = arith.constant 0 : i32
      %lt3A_239 = vector.broadcast %lt3A_238 : i32 to vector<16xi32>
      %lt3A_240 = arith.cmpi slt, %xor3A_237, %lt3A_239 : vector<16xi32>
      %add3A_241 = arith.constant 16 : i32
      %add3A_242 = vector.broadcast %add3A_241 : i32 to vector<16xi32>
      %add3A_243 = arith.addi %xor3A_237, %add3A_242 : vector<16xi32>
      %select_n3A_244 = arith.select %lt3A_240, %add3A_243, %xor3A_237 : vector<16xi1>, vector<16xi32>
      %broadcast_in_dim3A_245 = vector.shape_cast %select_n3A_244 : vector<16xi32> to vector<16x1xi32>
      %gather3A_246 = vector.shape_cast %broadcast_in_dim3A_245 : vector<16x1xi32> to vector<16xi32>
      %gather3A_247 = tpu.dynamic_gather %min3A[%gather3A_246] in [0] : vector<16xi32>, vector<16xi32> -> vector<16xi32>
      %min3A_248 = arith.minsi %min3A, %gather3A_247 : vector<16xi32>
      %xor3A_249 = arith.constant 4 : i32
      %xor3A_250 = vector.broadcast %xor3A_249 : i32 to vector<16xi32>
      %xor3A_251 = arith.xori %iota3A, %xor3A_250 : vector<16xi32>
      %lt3A_252 = arith.constant 0 : i32
      %lt3A_253 = vector.broadcast %lt3A_252 : i32 to vector<16xi32>
      %lt3A_254 = arith.cmpi slt, %xor3A_251, %lt3A_253 : vector<16xi32>
      %add3A_255 = arith.constant 16 : i32
      %add3A_256 = vector.broadcast %add3A_255 : i32 to vector<16xi32>
      %add3A_257 = arith.addi %xor3A_251, %add3A_256 : vector<16xi32>
      %select_n3A_258 = arith.select %lt3A_254, %add3A_257, %xor3A_251 : vector<16xi1>, vector<16xi32>
      %broadcast_in_dim3A_259 = vector.shape_cast %select_n3A_258 : vector<16xi32> to vector<16x1xi32>
      %gather3A_260 = vector.shape_cast %broadcast_in_dim3A_259 : vector<16x1xi32> to vector<16xi32>
      %gather3A_261 = tpu.dynamic_gather %min3A_248[%gather3A_260] in [0] : vector<16xi32>, vector<16xi32> -> vector<16xi32>
      %min3A_262 = arith.minsi %min3A_248, %gather3A_261 : vector<16xi32>
      %xor3A_263 = arith.constant 8 : i32
      %xor3A_264 = vector.broadcast %xor3A_263 : i32 to vector<16xi32>
      %xor3A_265 = arith.xori %iota3A, %xor3A_264 : vector<16xi32>
      %lt3A_266 = arith.constant 0 : i32
      %lt3A_267 = vector.broadcast %lt3A_266 : i32 to vector<16xi32>
      %lt3A_268 = arith.cmpi slt, %xor3A_265, %lt3A_267 : vector<16xi32>
      %add3A_269 = arith.constant 16 : i32
      %add3A_270 = vector.broadcast %add3A_269 : i32 to vector<16xi32>
      %add3A_271 = arith.addi %xor3A_265, %add3A_270 : vector<16xi32>
      %select_n3A_272 = arith.select %lt3A_268, %add3A_271, %xor3A_265 : vector<16xi1>, vector<16xi32>
      %broadcast_in_dim3A_273 = vector.shape_cast %select_n3A_272 : vector<16xi32> to vector<16x1xi32>
      %gather3A_274 = vector.shape_cast %broadcast_in_dim3A_273 : vector<16x1xi32> to vector<16xi32>
      %gather3A_275 = tpu.dynamic_gather %min3A_262[%gather3A_274] in [0] : vector<16xi32>, vector<16xi32> -> vector<16xi32>
      %min3A_276 = arith.minsi %min3A_262, %gather3A_275 : vector<16xi32>
      %broadcast_in_dim3A_277 = vector.broadcast %scan3A_81 : i32 to vector<16xi32>
      tpu.vector_store_idx %arg5[%broadcast_in_dim3A_277, %min3A_276], %broadcast_in_dim3A_5 masked %eq3A_7 : memref<4x8192xf32, #tpu.memory_space<vmem>>[vector<16xi32>, vector<16xi32>], vector<16xf32>, vector<16xi1>
      %add3A_278 = arith.addi %mul3A_2, %scan3A_81 : i32
      %dma_start3A_279 = arith.constant 0 : i32
      %dma_start3A_280 = tpu.memref_slice %arg5[%scan3A_81, %dma_start3A_279] : memref<4x8192xf32, #tpu.memory_space<vmem>> -> memref<1x8192xf32, #tpu.memory_space<vmem>>
      %dma_start3A_281 = tpu.memref_squeeze %dma_start3A_280 : memref<1x8192xf32, #tpu.memory_space<vmem>> -> memref<8192xf32, #tpu.memory_space<vmem>>
      %dma_start3A_282 = arith.constant 0 : i32
      %dma_start3A_283 = tpu.memref_slice %arg3[%add3A_278, %dma_start3A_282] : memref<128x8192xf32, #tpu.memory_space<hbm>> -> memref<1x8192xf32, #tpu.memory_space<hbm>>
      %dma_start3A_284 = tpu.memref_squeeze %dma_start3A_283 : memref<1x8192xf32, #tpu.memory_space<hbm>> -> memref<8192xf32, #tpu.memory_space<hbm>>
      %dma_start3A_285 = arith.constant 0 : i32
      %dma_start3A_286 = tpu.memref_slice %arg3[%add3A_278, %dma_start3A_285] : memref<128x8192xf32, #tpu.memory_space<hbm>> -> memref<1x8192xf32, #tpu.memory_space<hbm>>
      %dma_start3A_287 = tpu.memref_squeeze %dma_start3A_286 : memref<1x8192xf32, #tpu.memory_space<hbm>> -> memref<8192xf32, #tpu.memory_space<hbm>>
      %dma_start3A_288 = arith.constant 0 : i32
      %dma_start3A_289 = tpu.memref_slice %arg5[%scan3A_81, %dma_start3A_288] : memref<4x8192xf32, #tpu.memory_space<vmem>> -> memref<1x8192xf32, #tpu.memory_space<vmem>>
      %dma_start3A_290 = tpu.memref_squeeze %dma_start3A_289 : memref<1x8192xf32, #tpu.memory_space<vmem>> -> memref<8192xf32, #tpu.memory_space<vmem>>
      tpu.enqueue_dma source(%dma_start3A_290 : memref<8192xf32, #tpu.memory_space<vmem>>) target(%dma_start3A_287 : memref<8192xf32, #tpu.memory_space<hbm>>) target_semaphore(%arg7 : memref<!tpu.dma_semaphore, #tpu.memory_space<semaphore_mem>>)
    }
    %scan3A_20 = arith.constant 4 : i32
    %add3A_21 = arith.constant 0 : i32
    %add3A_22 = arith.addi %mul3A_2, %add3A_21 : i32
    %dma_wait3A_23 = arith.constant 0 : i32
    %dma_wait3A_24 = arith.constant 0 : i32
    %dma_wait3A_25 = tpu.memref_slice %arg5[%dma_wait3A_23, %dma_wait3A_24] : memref<4x8192xf32, #tpu.memory_space<vmem>> -> memref<1x8192xf32, #tpu.memory_space<vmem>>
    %dma_wait3A_26 = tpu.memref_squeeze %dma_wait3A_25 : memref<1x8192xf32, #tpu.memory_space<vmem>> -> memref<8192xf32, #tpu.memory_space<vmem>>
    %dma_wait3A_27 = arith.constant 0 : i32
    %dma_wait3A_28 = tpu.memref_slice %arg3[%add3A_22, %dma_wait3A_27] : memref<128x8192xf32, #tpu.memory_space<hbm>> -> memref<1x8192xf32, #tpu.memory_space<hbm>>
    %dma_wait3A_29 = tpu.memref_squeeze %dma_wait3A_28 : memref<1x8192xf32, #tpu.memory_space<hbm>> -> memref<8192xf32, #tpu.memory_space<hbm>>
    %dma_wait3A_30 = arith.constant 0 : i32
    %dma_wait3A_31 = tpu.memref_slice %arg3[%add3A_22, %dma_wait3A_30] : memref<128x8192xf32, #tpu.memory_space<hbm>> -> memref<1x8192xf32, #tpu.memory_space<hbm>>
    %dma_wait3A_32 = tpu.memref_squeeze %dma_wait3A_31 : memref<1x8192xf32, #tpu.memory_space<hbm>> -> memref<8192xf32, #tpu.memory_space<hbm>>
    %dma_wait3A_33 = arith.constant 0 : i32
    %dma_wait3A_34 = tpu.memref_slice %arg5[%dma_wait3A_23, %dma_wait3A_33] : memref<4x8192xf32, #tpu.memory_space<vmem>> -> memref<1x8192xf32, #tpu.memory_space<vmem>>
    %dma_wait3A_35 = tpu.memref_squeeze %dma_wait3A_34 : memref<1x8192xf32, #tpu.memory_space<vmem>> -> memref<8192xf32, #tpu.memory_space<vmem>>
    tpu.wait_dma2 semaphore(%arg7 : memref<!tpu.dma_semaphore, #tpu.memory_space<semaphore_mem>>) src(%dma_wait3A_35 : memref<8192xf32, #tpu.memory_space<vmem>>) dst(%dma_wait3A_32 : memref<8192xf32, #tpu.memory_space<hbm>>)
    %add3A_36 = arith.constant 1 : i32
    %add3A_37 = arith.addi %mul3A_2, %add3A_36 : i32
    %dma_wait3A_38 = arith.constant 1 : i32
    %dma_wait3A_39 = arith.constant 0 : i32
    %dma_wait3A_40 = tpu.memref_slice %arg5[%dma_wait3A_38, %dma_wait3A_39] : memref<4x8192xf32, #tpu.memory_space<vmem>> -> memref<1x8192xf32, #tpu.memory_space<vmem>>
    %dma_wait3A_41 = tpu.memref_squeeze %dma_wait3A_40 : memref<1x8192xf32, #tpu.memory_space<vmem>> -> memref<8192xf32, #tpu.memory_space<vmem>>
    %dma_wait3A_42 = arith.constant 0 : i32
    %dma_wait3A_43 = tpu.memref_slice %arg3[%add3A_37, %dma_wait3A_42] : memref<128x8192xf32, #tpu.memory_space<hbm>> -> memref<1x8192xf32, #tpu.memory_space<hbm>>
    %dma_wait3A_44 = tpu.memref_squeeze %dma_wait3A_43 : memref<1x8192xf32, #tpu.memory_space<hbm>> -> memref<8192xf32, #tpu.memory_space<hbm>>
    %dma_wait3A_45 = arith.constant 0 : i32
    %dma_wait3A_46 = tpu.memref_slice %arg3[%add3A_37, %dma_wait3A_45] : memref<128x8192xf32, #tpu.memory_space<hbm>> -> memref<1x8192xf32, #tpu.memory_space<hbm>>
    %dma_wait3A_47 = tpu.memref_squeeze %dma_wait3A_46 : memref<1x8192xf32, #tpu.memory_space<hbm>> -> memref<8192xf32, #tpu.memory_space<hbm>>
    %dma_wait3A_48 = arith.constant 0 : i32
    %dma_wait3A_49 = tpu.memref_slice %arg5[%dma_wait3A_38, %dma_wait3A_48] : memref<4x8192xf32, #tpu.memory_space<vmem>> -> memref<1x8192xf32, #tpu.memory_space<vmem>>
    %dma_wait3A_50 = tpu.memref_squeeze %dma_wait3A_49 : memref<1x8192xf32, #tpu.memory_space<vmem>> -> memref<8192xf32, #tpu.memory_space<vmem>>
    tpu.wait_dma2 semaphore(%arg7 : memref<!tpu.dma_semaphore, #tpu.memory_space<semaphore_mem>>) src(%dma_wait3A_50 : memref<8192xf32, #tpu.memory_space<vmem>>) dst(%dma_wait3A_47 : memref<8192xf32, #tpu.memory_space<hbm>>)
    %add3A_51 = arith.constant 2 : i32
    %add3A_52 = arith.addi %mul3A_2, %add3A_51 : i32
    %dma_wait3A_53 = arith.constant 2 : i32
    %dma_wait3A_54 = arith.constant 0 : i32
    %dma_wait3A_55 = tpu.memref_slice %arg5[%dma_wait3A_53, %dma_wait3A_54] : memref<4x8192xf32, #tpu.memory_space<vmem>> -> memref<1x8192xf32, #tpu.memory_space<vmem>>
    %dma_wait3A_56 = tpu.memref_squeeze %dma_wait3A_55 : memref<1x8192xf32, #tpu.memory_space<vmem>> -> memref<8192xf32, #tpu.memory_space<vmem>>
    %dma_wait3A_57 = arith.constant 0 : i32
    %dma_wait3A_58 = tpu.memref_slice %arg3[%add3A_52, %dma_wait3A_57] : memref<128x8192xf32, #tpu.memory_space<hbm>> -> memref<1x8192xf32, #tpu.memory_space<hbm>>
    %dma_wait3A_59 = tpu.memref_squeeze %dma_wait3A_58 : memref<1x8192xf32, #tpu.memory_space<hbm>> -> memref<8192xf32, #tpu.memory_space<hbm>>
    %dma_wait3A_60 = arith.constant 0 : i32
    %dma_wait3A_61 = tpu.memref_slice %arg3[%add3A_52, %dma_wait3A_60] : memref<128x8192xf32, #tpu.memory_space<hbm>> -> memref<1x8192xf32, #tpu.memory_space<hbm>>
    %dma_wait3A_62 = tpu.memref_squeeze %dma_wait3A_61 : memref<1x8192xf32, #tpu.memory_space<hbm>> -> memref<8192xf32, #tpu.memory_space<hbm>>
    %dma_wait3A_63 = arith.constant 0 : i32
    %dma_wait3A_64 = tpu.memref_slice %arg5[%dma_wait3A_53, %dma_wait3A_63] : memref<4x8192xf32, #tpu.memory_space<vmem>> -> memref<1x8192xf32, #tpu.memory_space<vmem>>
    %dma_wait3A_65 = tpu.memref_squeeze %dma_wait3A_64 : memref<1x8192xf32, #tpu.memory_space<vmem>> -> memref<8192xf32, #tpu.memory_space<vmem>>
    tpu.wait_dma2 semaphore(%arg7 : memref<!tpu.dma_semaphore, #tpu.memory_space<semaphore_mem>>) src(%dma_wait3A_65 : memref<8192xf32, #tpu.memory_space<vmem>>) dst(%dma_wait3A_62 : memref<8192xf32, #tpu.memory_space<hbm>>)
    %add3A_66 = arith.constant 3 : i32
    %add3A_67 = arith.addi %mul3A_2, %add3A_66 : i32
    %dma_wait3A_68 = arith.constant 3 : i32
    %dma_wait3A_69 = arith.constant 0 : i32
    %dma_wait3A_70 = tpu.memref_slice %arg5[%dma_wait3A_68, %dma_wait3A_69] : memref<4x8192xf32, #tpu.memory_space<vmem>> -> memref<1x8192xf32, #tpu.memory_space<vmem>>
    %dma_wait3A_71 = tpu.memref_squeeze %dma_wait3A_70 : memref<1x8192xf32, #tpu.memory_space<vmem>> -> memref<8192xf32, #tpu.memory_space<vmem>>
    %dma_wait3A_72 = arith.constant 0 : i32
    %dma_wait3A_73 = tpu.memref_slice %arg3[%add3A_67, %dma_wait3A_72] : memref<128x8192xf32, #tpu.memory_space<hbm>> -> memref<1x8192xf32, #tpu.memory_space<hbm>>
    %dma_wait3A_74 = tpu.memref_squeeze %dma_wait3A_73 : memref<1x8192xf32, #tpu.memory_space<hbm>> -> memref<8192xf32, #tpu.memory_space<hbm>>
    %dma_wait3A_75 = arith.constant 0 : i32
    %dma_wait3A_76 = tpu.memref_slice %arg3[%add3A_67, %dma_wait3A_75] : memref<128x8192xf32, #tpu.memory_space<hbm>> -> memref<1x8192xf32, #tpu.memory_space<hbm>>
    %dma_wait3A_77 = tpu.memref_squeeze %dma_wait3A_76 : memref<1x8192xf32, #tpu.memory_space<hbm>> -> memref<8192xf32, #tpu.memory_space<hbm>>
    %dma_wait3A_78 = arith.constant 0 : i32
    %dma_wait3A_79 = tpu.memref_slice %arg5[%dma_wait3A_68, %dma_wait3A_78] : memref<4x8192xf32, #tpu.memory_space<vmem>> -> memref<1x8192xf32, #tpu.memory_space<vmem>>
    %dma_wait3A_80 = tpu.memref_squeeze %dma_wait3A_79 : memref<1x8192xf32, #tpu.memory_space<vmem>> -> memref<8192xf32, #tpu.memory_space<vmem>>
    tpu.wait_dma2 semaphore(%arg7 : memref<!tpu.dma_semaphore, #tpu.memory_space<semaphore_mem>>) src(%dma_wait3A_80 : memref<8192xf32, #tpu.memory_space<vmem>>) dst(%dma_wait3A_77 : memref<8192xf32, #tpu.memory_space<hbm>>)
    return
  }
}

</mosaic_0001>

<sc_bundles>
// kernel: kernel.3.cloned.1.call-start
scs
__scs_entry_jumppad:
0x0: {  	(pc) =	sbr.rel $0x88, $3  }
0x1: {  	(tag) =	ssettag $0x0;
	lr =	simm.s32 $0x1  }
0x2: {  	[smem:$0x3FA0] =	sst lr;
	_ =	strace $0xD0000000  }
0x3: {  	_ = 	snop  }
0x4: {  	_ = 	snop  }
0x5: {  	_ = 	snop  }
0x6: {  	_ = 	snop  }
0x7: {  	_ = 	snop  }
__scs_overlays_trampoline_lowered:
0x8: {  	[smem:$0x3FAF] =	sst s0  }
0x9: {  	[smem:$0x3FB0] =	sst s1  }
0xa: {  	[smem:$0x3FB1] =	sst s2  }
0xb: {  	[smem:$0x3FB2] =	sst s3  }
0xc: {  	[smem:$0x3FB3] =	sst s4  }
0xd: {  	[smem:$0x3FB4] =	sst s5  }
0xe: {  	[smem:$0x3FB5] =	sst s6  }
0xf: {  	[smem:$0x3FB6] =	sst s7  }
0x10: {  	[smem:$0x3FB7] =	sst s8  }
0x11: {  	[smem:$0x3FB8] =	sst s9;
	s0 =	simm.s32 @!p0 $0x0  }
0x12: {  	s1 =	sld [smem:$0x3F9E];
	s0 =	simm.s32 @p0 $0x1  }
0x13: {  	[smem:$0x3FB9] =	sst s0;
	s0 =	simm.s32 @!p1 $0x0  }
0x14: {  	s2 =	sld [smem:$0x3F9D];
	s0 =	simm.s32 @p1 $0x1  }
0x15: {  	[smem:$0x3FBA] =	sst s0;
	s0 =	simm.s32 @!p2 $0x0  }
0x16: {  	s3 =	sld [smem:$0x3FDB];
	s0 =	simm.s32 @p2 $0x1  }
0x17: {  	s4 =	simm.s32 $0x1BF5;
	[smem:$0x3FBC] =	sst s0  }
0x18: {  	s0 =	sld [smem:$0x3F9F];
	_ =	swait.ge [sflag:s4], $0x0  }
0x19: {  	s7 =	sld [smem:$0x3FA0]  }
0x1a: {  	s8 =	sadd.s32 $0xFFFFE003, lr  }
0x1b: {  	s9 =	sadd.s32 $0xFFFFFEF7, lr;
	s5 =	simm.s32 $0xFFFFFFFF;
	p2 =	slt.u32 s8, $0xFFFFF086  }
0x1c: {  	p1 =	slt.u32 s9, $0xF7A;
	s5 =	simm.s32 @!p2 $0x0  }
0x1d: {  	s5 =	simm.s32 @p1 $0x1;
	p0 =	seq.s32 s7, s2  }
0x1e: {  	s7 =	smul.u32 @!p0 $0xF7A, s2;
	p2 =	seq.s32 @!p0 s5, $0x0  }
0x1f: {  	s9 =	smul.u32 $0xF7A, s1;
	s8 =	simm.s32 @!p0 $0x1BF5;
	p2 =	por !p2, p0  }
0x20: {  	[sflag:s8] =	ssyncset.s32 @!p0 $0xFFFFF086;
	s6 =	sadd.s32 @!p0 s3, s7;
	s7 =	simm.s32 @!p0 $0x108  }
0x21: {  	s3 =	sadd.s32 s3, s9;
	s6 =	sadd.s32 @!p0 $0x88, s6;
	s7 =	simm.s32 @p2 $0x1082  }
0x22: {  	[simem:s7], [sflag:s8] =	dma.local @!p0 [hbm:s6], $0xF7A  }
0x23: {  	s9 =	sor.u32 $0xD0000000, s2;
	s6 =	simm.s32 $0x108;
	_ =	swait.ge @!p0 [sflag:s8], $0x0  }
0x24: {  	s3 =	sadd.s32 $0x88, s3;
	s6 =	simm.s32 @!p1 $0x1082;
	[sflag:s4] =	ssyncset.s32 $0xFFFFF086  }
0x25: {  	[simem:s6], [sflag:s4] =	dma.local [hbm:s3], $0xF7A  }
0x26: {  	[smem:$0x3FA0] =	sst s1;
	(tag) =	ssettag s2;
	_ =	strace s9  }
0x27: {  	s1 =	sld [smem:$0x3FB0]  }
0x28: {  	s2 =	sld [smem:$0x3FB1]  }
0x29: {  	s4 =	sld [smem:$0x3FB3]  }
0x2a: {  	p0 =	seq.s32 s5, $0x0;
	s5 =	sld [smem:$0x3FB4]  }
0x2b: {  	s6 =	sld [smem:$0x3FB5]  }
0x2c: {  	s7 =	sld [smem:$0x3FB6]  }
0x2d: {  	s3 =	simm.s32 $0x108;
	s8 =	sld [smem:$0x3FB7]  }
0x2e: {  	s3 =	simm.s32 @!p0 $0x1082;
	s9 =	sld [smem:$0x3FB8]  }
0x2f: {  	lr =	sadd.s32 s0, s3;
	s0 =	sld [smem:$0x3FAF]  }
0x30: {  	s3 =	sld [smem:$0x3FB2]  }
0x31: {  	[smem:$0x3FBB] =	sst s10  }
0x32: {  	s10 =	sld [smem:$0x3FB9];
	_ =	sdelay $0x3  }
0x33: {  	p0 =	seq.s32 s10, $0x1;
	s10 =	sld [smem:$0x3FBB];
	_ =	sdelay $0x3  }
0x34: {  	[smem:$0x3FBB] =	sst s10  }
0x35: {  	s10 =	sld [smem:$0x3FBA];
	_ =	sdelay $0x3  }
0x36: {  	p1 =	seq.s32 s10, $0x1;
	s10 =	sld [smem:$0x3FBB];
	_ =	sdelay $0x3  }
0x37: {  	[smem:$0x3FBB] =	sst s10  }
0x38: {  	s10 =	sld [smem:$0x3FBC]  }
0x39: {  	_ = 	snop;
	(pc) =	sbr.ind lr, $3  }
0x3a: {  	_ = 	snop  }
0x3b: {  	_ = 	snop  }
0x3c: {  	p2 =	seq.s32 s10, $0x1;
	s10 =	sld [smem:$0x3FBB]  }
0x3d: {  	_ =	shalt  }
0x3e: {  	_ =	shalt  }
0x3f: {  	_ =	shalt  }
0x40: {  	_ =	shalt  }
0x41: {  	_ =	shalt  }
0x42: {  	_ =	shalt  }
0x43: {  	_ =	shalt  }
0x44: {  	_ =	shalt  }
0x45: {  	_ =	shalt  }
0x46: {  	_ =	shalt  }
0x47: {  	_ =	shalt  }
0x48: {  	_ =	shalt  }
0x49: {  	_ =	shalt  }
0x4a: {  	_ =	shalt  }
0x4b: {  	_ =	shalt  }
0x4c: {  	_ =	shalt  }
0x4d: {  	_ =	shalt  }
0x4e: {  	_ =	shalt  }
0x4f: {  	_ =	shalt  }
0x50: {  	_ =	shalt  }
0x51: {  	_ =	shalt  }
0x52: {  	_ =	shalt  }
0x53: {  	_ =	shalt  }
0x54: {  	_ =	shalt  }
0x55: {  	_ =	shalt  }
0x56: {  	_ =	shalt  }
0x57: {  	_ =	shalt  }
0x58: {  	_ =	shalt  }
0x59: {  	_ =	shalt  }
0x5a: {  	_ =	shalt  }
0x5b: {  	_ =	shalt  }
0x5c: {  	_ =	shalt  }
0x5d: {  	_ =	shalt  }
0x5e: {  	_ =	shalt  }
0x5f: {  	_ =	shalt  }
0x60: {  	_ =	shalt  }
0x61: {  	_ =	shalt  }
0x62: {  	_ =	shalt  }
0x63: {  	_ =	shalt  }
0x64: {  	_ =	shalt  }
0x65: {  	_ =	shalt  }
0x66: {  	_ =	shalt  }
0x67: {  	_ =	shalt  }
0x68: {  	_ =	shalt  }
0x69: {  	_ =	shalt  }
0x6a: {  	_ =	shalt  }
0x6b: {  	_ =	shalt  }
0x6c: {  	_ =	shalt  }
0x6d: {  	_ =	shalt  }
0x6e: {  	_ =	shalt  }
0x6f: {  	_ =	shalt  }
0x70: {  	_ =	shalt  }
0x71: {  	_ =	shalt  }
0x72: {  	_ =	shalt  }
0x73: {  	_ =	shalt  }
0x74: {  	_ =	shalt  }
0x75: {  	_ =	shalt  }
0x76: {  	_ =	shalt  }
0x77: {  	_ =	shalt  }
0x78: {  	_ =	shalt  }
0x79: {  	_ =	shalt  }
0x7a: {  	_ =	shalt  }
0x7b: {  	_ =	shalt  }
0x7c: {  	_ =	shalt  }
0x7d: {  	_ =	shalt  }
0x7e: {  	_ =	shalt  }
0x7f: {  	_ =	shalt  }
0x80: {  	_ =	shalt  }
0x81: {  	_ =	shalt  }
0x82: {  	_ =	shalt  }
0x83: {  	_ =	shalt  }
0x84: {  	_ =	shalt  }
0x85: {  	_ =	shalt  }
0x86: {  	_ =	shalt  }
0x87: {  	_ =	shalt  }
.Lfunc_end0:
.L_simem_size_0:
called_computation_lowered:
.L_overlay_start_0:
0x88: {  	s2 =	sld [smem:$0x3FD9]  }
0x89: {  	s3 =	sld [smem:$0x3FFE];
	_ =	sdelay $0x1  }
0x8a: {  	s1 =	srdreg.scid  }
0x8b: {  	s0 =	sand.u32 $0x1, s1  }
0x8c: {  	s18 =	sshll.u32 s0, $0xA;
	s2 =	sadd.s32 s3, s2  }
0x8d: {  	s2 =	sadd.s32 s2, s18  }
0x8e: {  	[smem:$0x3FC7] =	sst s2  }
0x8f: {  	_ = 	snop  }
0x90: {  	s2 =	sld [smem:$0x3FC9]  }
0x91: {  	s19 =	sld [smem:$0x3FD0];
	(tm) =	ssettm $0x1  }
0x92: {  	s4 =	sld [smem:$0x3FFB];
	_ =	sdelay $0x3  }
0x93: {  	_ =	strace s4  }
0x94: {  	s4 =	sld [smem:$0x3FFC];
	_ =	sdelay $0x3  }
0x95: {  	_ =	strace s4  }
0x96: {  	s4 =	sld [smem:$0x3FFD];
	_ =	sdelay $0x3  }
0x97: {  	_ =	strace s4  }
0x98: {  	_ =	strace $0x8FFFFFFF  }
0x99: {  	s20 =	sld [smem:$0x3FDB];
	_ =	sdelay $0x1  }
0x9a: {  	s5 =	simm.s32 $_scs_section_size  }
0x9b: {  	s6 =	simm.s32 $_size__tile_overlayer_lowered;
	s7 =	simm.s32 $_tile_overlayer_lowered  }
0x9c: {  	s23 =	simm.s32 $0x1BFF;
	s22 =	sshll.u32 s7, $0x1;
	s4 =	sadd.s32 s5, s20  }
0x9d: {  	s8 =	simm.s32 $0x0;
	s21 =	sshll.u32 s6, $0x1;
	s6 =	sadd.s32 s22, s4  }
0x9e: {  	[timem:s8], [sflag:s23] =	dma.local [hbm:s6], s21  }
0x9f: {  	_ =	swait.ge [sflag:s23], s21  }
0xa0: {  	s5 =	ssub.s32 $0x0, s21;
	[sflag:s23] =	ssyncset.done $0x0  }
0xa1: {  	[sflag:s23] =	ssyncadd.s32 s5;
	_ =	sdelay $0x1  }
0xa2: {  	s24 =	simm.s32 $0x1B8B  }
0xa3: {  	_ =	swait.ge [sflag:s24], $0x1  }
0xa4: {  	[sflag:s24] =	ssyncset.done $0x0  }
0xa5: {  	s25 =	simm.s32 $0x1B8E;
	[sflag:s24] =	ssyncadd.s32 $0xFFFFFFFF  }
0xa6: {  	s26 =	simm.s32 $execute0_lowered;
	[smem:$0x3FD2] =	sst s25  }
0xa7: {  	s5 =	sshll.u32 s26, $0x1;
	_ =	strace $0x80000046;
	[dreg:$0x1] =	wrdreg $0xFFFFFFFF  }
0xa8: {  	s28 =	simm.s32 $_size_execute0_lowered;
	s4 =	sadd.s32 s4, s5;
	[dreg:$0x0] =	wrdreg $0x0  }
0xa9: {  	s5 =	sshll.u32 s28, $0x1;
	[dreg:$0x2] =	wrdreg s4  }
0xaa: {  	[dreg:$0x3] =	wrdreg s5  }
0xab: {  	[dreg:$0x4] =	wrdreg $0xC0  }
0xac: {  	_ =	task [dreg:s8], $0x5FFFF  }
0xad: {  	[dreg:$0x1] =	wrdreg $0xFFFFFFFF  }
0xae: {  	[dreg:$0x0] =	wrdreg $0x60  }
0xaf: {  	[dreg:$0x2] =	wrdreg s2  }
0xb0: {  	[dreg:$0x3] =	wrdreg s19  }
0xb1: {  	[dreg:$0x4] =	wrdreg $0x9  }
0xb2: {  	_ =	task.clear_ibuf [dreg:s8], $0x5FFFF;
	_ =	strace $0x90000046  }
0xb3: {  	s29 =	simm.s32 $0x9;
	_ =	strace $0x80000048  }
0xb4: {  	_ =	swait.ge [sflag:s29], $0x1  }
0xb5: {  	[sflag:s29] =	ssyncadd.s32 $0xFFFFFFFF  }
0xb6: {  	_ =	strace $0x90000048  }
0xb7: {  	_ =	sfence  }
0xb8: {  	s30 =	sld [smem:$0x0];
	_ =	sdelay $0x2  }
0xb9: {  	s31 =	sshll.u32 s1, $0xD;
	s1 =	sshrl.u32 s1, $0x2  }
0xba: {  	s3 =	sand.u32 $0x4000, s31;
	s1 =	sadd.s32 s1, s30  }
0xbb: {  	s0 =	sor.u32 s3, s0;
	s1 =	sshll.u32 s1, $0x11  }
0xbc: {  	s0 =	sor.u32 s1, s0  }
0xbd: {  	s0 =	sadd.s32 $0x8F2B, s0  }
0xbe: {  	[sflag:s0] =	ssyncadd.remote.s32 $0x1  }
0xbf: {  	_ =	sfence.sel $0xFFFF  }
0xc0: {  	[dreg:$0x0] =	wrdreg $0xFFFFFFFF;
	(pc) =	sbr.abs _section_cstart, $3  }
0xc1: {  	[dreg:$0x1] =	wrdreg $0xFFFFFFFF  }
0xc2: {  	_ =	task.clear_ibuf [dreg:s8], $0x2FFFF;
	_ =	strace $0x9FFFFFFF  }
0xc3: {  	(tm) =	ssettm $0x7FFFFFFF  }
tec
execute0_lowered:
.L_overlay_start_1:
0x0: {  	(tag) =	ssettag $0x1  }
0x1: {  	v0 =	vimm.s32 $0xEFCDAB89;
	v1 =	vimm.s32 $0x67452301  }
0x2: {  	v0 =	vunpack.c.l.s4.s8 v0;
	v1 =	vunpack.c.l.s4.s8 v1  }
0x3: {  	v2 =	vimm.s32 $0xDCFE98BA;
	v4 =	vimm.s32 $0x32107654  }
0x4: {  	v5 =	vimm.s32 $0xFEDCBA98;
	v0 =	vunpack.c.0.s8.s32 v0;
	v1 =	vunpack.c.0.s8.s32 v1  }
0x5: {  	s3 =	rddreg [dreg:$0x0];
	v6 =	vimm.s32 $0x76543210;
	v2 =	vunpack.c.l.s4.s8 v2;
	v4 =	vunpack.c.l.s4.s8 v4  }
0x6: {  	s4 =	rddreg [dreg:$0x1];
	v5 =	vunpack.c.l.s4.s8 v5;
	v6 =	vunpack.c.l.s4.s8 v6;
	v3 =	vcombine.low v1, v0  }
0x7: {  	s2 =	srdreg.scid;
	s0 =	rddreg [dreg:$0x2];
	v0 =	vunpack.c.0.s8.s32 v2;
	v1 =	vimm.s32 $0x54761032;
	v2 =	vimm.s32 $0xBA98FEDC  }
0x8: {  	s1 =	simm.s32 $0x0;
	s8 =	simm.s32 $0x1;
	s9 =	simm.s32 $0x8000;
	v5 =	vunpack.c.0.s8.s32 v5;
	v1 =	vunpack.c.l.s4.s8 v1;
	v2 =	vunpack.c.l.s4.s8 v2  }
0x9: {  	s10 =	simm.s32 $0x2;
	s11 =	simm.s32 $0x0;
	s5 =	sand.u32 $0x1, s2;
	v4 =	vunpack.c.0.s8.s32 v4;
	v6 =	vunpack.c.0.s8.s32 v6  }
0xa: {  	[smem:$0x7FF] =	sst s1;
	s2 =	stileid.u32;
	s6 =	ssub.s32 $0x2, s5;
	v5 =	vand.u32 $0xF, v5;
	v1 =	vunpack.c.0.s8.s32 v1;
	v2 =	vunpack.c.0.s8.s32 v2  }
0xb: {  	_ =	strace $0x80000047;
	s5 =	sshll.u32 s5, $0x6;
	s31 =	sshll.u32 s2, $0xD;
	v5 =	vcombine.low v5, v6  }
0xc: {  	s7 =	sshrl.u32 s6, $0x1;
	s3 =	sadd.s32 s3, s5;
	s4 =	sadd.s32 s4, s5;
	v7 =	vcombine.low v1, v0;
	v4 =	vcombine.low v4, v2  }
0xd: {  	s6 =	ssub.s32 s6, s7;
	s3 =	sadd.s32 s31, s3;
	s4 =	sadd.s32 s31, s4;
	v6 =	vimm.f32 $1.000000000e+00;
	v0 =	vimm.f32 $0.0e+00;
	v1 =	vlaneseq.u32  }
0xe: {  	s7 =	simm.s32 $0x400;
	s5 =	smax.u32 s6, $0x1;
	s6 =	simm.s32 $0x200;
	v2 =	vand.u32 $0xF, v3;
	v3 =	vand.u32 $0xF, v7;
	v4 =	vand.u32 $0xF, v4  }
.LBB2_1:
0xf: {  	[tilespmem:s1], [sflag:$0x1] =	stream.strided.gather [hbm4b:s3+s6], $0x8000, s7, s6, $0x38;
	[tilespmem:$0x10000] =	vst v63  }
0x10: {  	s12 =	sand.u32 $0x40, s1;
	s13 =	sand.u32 $0x7E00, s1  }
0x11: {  	s14 =	sor.u32 s12, s13  }
0x12: {  	[tilespmem:s14+$0x8030] =	vst v0  }
0x13: {  	[tilespmem:s14+$0x8080] =	vst v0  }
0x14: {  	[tilespmem:s14+$0x80B0] =	vst v0  }
0x15: {  	p0 =	por $0x0, $0x0;
	s12 =	simm.s32 $0x1;
	[tilespmem:s14+$0x8090] =	vst v0  }
0x16: {  	s12 =	simm.s32 @!p0 $0x0;
	[tilespmem:s14+$0x80A0] =	vst v0  }
0x17: {  	[tilespmem:s14+$0x8000] =	vst v0;
	s12 =	sshll.u32 s12, $0x6  }
0x18: {  	[tilespmem:s14+$0x8010] =	vst v0;
	s12 =	sadd.s32 $0x0, s12  }
0x19: {  	[tilespmem:s14+$0x8020] =	vst v0;
	s25 =	sor.u32 $0x100, s12  }
0x1a: {  	s26 =	sor.u32 $0x180, s12;
	s15 =	sadd.s32 $0x10, s12;
	[tilespmem:s25+$0x8000] =	vst v0  }
0x1b: {  	s16 =	sadd.s32 $0x30, s12;
	s28 =	sor.u32 $0x100, s15;
	[tilespmem:s26+$0x8000] =	vst v0  }
0x1c: {  	s30 =	sor.u32 $0x100, s16;
	[tilespmem:s28+$0x8000] =	vst v0  }
0x1d: {  	s13 =	simm.s32 $0x40;
	s14 =	simm.s32 $0x100;
	s29 =	sor.u32 $0x180, s15;
	[tilespmem:s30+$0x8000] =	vst v0  }
0x1e: {  	p0 =	por !p0, !p0;
	s17 =	sadd.s32 $0x20, s12;
	s31 =	sor.u32 $0x180, s16;
	[tilespmem:s29+$0x8000] =	vst v0  }
0x1f: {  	s12 =	simm.s32 $0x0;
	s15 =	sor.u32 $0x100, s17;
	s16 =	sor.u32 $0x180, s17;
	[tilespmem:s31+$0x8000] =	vst v0  }
.LBB2_2:
0x20: {  	s17 =	simm.s32 $0x1  }
0x21: {  	s18 =	sand.u32 $0x40, s13;
	s19 =	sand.u32 $0x7E00, s14;
	[tilespmem:s15+$0x8000] =	vst v0;
	s17 =	simm.s32 @!p0 $0x0  }
0x22: {  	s12 =	sadd.s32 $0x4, s12;
	s15 =	sshll.u32 s17, $0x6;
	s17 =	sor.u32 s18, s19;
	[tilespmem:s16+$0x8000] =	vst v0  }
0x23: {  	p1 =	slt.u32 s12, $0x1FC;
	s16 =	sadd.s32 s15, s14;
	[tilespmem:s17+$0x8030] =	vst v0  }
0x24: {  	[tilespmem:s17+$0x8080] =	vst v0;
	s18 =	sor.u32 $0x100, s16;
	s19 =	sadd.s32 $0x10, s16;
	s20 =	sadd.s32 $0x20, s16  }
0x25: {  	s22 =	sadd.s32 $0x30, s16;
	s21 =	sor.u32 $0x100, s19;
	[tilespmem:s17+$0x80B0] =	vst v0  }
0x26: {  	s15 =	sor.u32 $0x100, s20;
	[tilespmem:s17+$0x8090] =	vst v0  }
0x27: {  	s23 =	sor.u32 $0x100, s22;
	[tilespmem:s17+$0x80A0] =	vst v0  }
0x28: {  	[tilespmem:s17+$0x8000] =	vst v0  }
0x29: {  	s16 =	sor.u32 $0x180, s16;
	[tilespmem:s18+$0x8000] =	vst v0;
	s18 =	sor.u32 $0x180, s22  }
0x2a: {  	[tilespmem:s16+$0x8000] =	vst v0  }
0x2b: {  	[tilespmem:s17+$0x8010] =	vst v0  }
.Ltmp0:
0x2c: {  	s16 =	sor.u32 $0x180, s19;
	[tilespmem:s21+$0x8000] =	vst v0;
	(pc) =	sbr.rel @p1 .LBB2_2-.Ltmp0, $4  }
0x2d: {  	[tilespmem:s16+$0x8000] =	vst v0  }
0x2e: {  	[tilespmem:s23+$0x8000] =	vst v0  }
0x2f: {  	s13 =	sadd.s32 $0x40, s13;
	[tilespmem:s18+$0x8000] =	vst v0  }
0x30: {  	p0 =	por !p0, !p0;
	s14 =	sadd.s32 $0x100, s14;
	s16 =	sor.u32 $0x180, s20;
	[tilespmem:s17+$0x8020] =	vst v0  }
0x31: {  	[tilespmem:s15+$0x8000] =	vst v0  }
0x32: {  	[tilespmem:s16+$0x8000] =	vst v0  }
0x33: {  	_ =	swait.ge [sflag:s8], $0x8000  }
0x34: {  	s12 =	simm.s32 $0x0;
	s13 =	simm.s32 $0x40;
	[sflag:s8] =	ssyncset.done $0x0  }
0x35: {  	s14 =	simm.s32 $0x8000;
	s15 =	simm.s32 $0x0;
	[sflag:s8] =	ssyncadd.s32 $0xFFFF8000  }
.LBB2_4:
0x36: {  	v9 =	vld [tilespmem:s13+$0xFFFFFFC0]  }
0x37: {  	v10 =	vld [tilespmem:s13+$0xFFFFFFD0]  }
0x38: {  	v13 =	vld [tilespmem:s13+$0xFFFFFFE0]  }
0x39: {  	v14 =	vld [tilespmem:s13+$0xFFFFFFF0]  }
0x3a: {  	v15 =	vld [tilespmem:s13+$0x0]  }
0x3b: {  	v17 =	vld [tilespmem:s13+$0x10]  }
0x3c: {  	v18 =	vld [tilespmem:s13+$0x20];
	_ =	sdelay $0x1  }
0x3d: {  	v19 =	vimm.f32 $-Inf;
	v20 =	vld [tilespmem:s13+$0x30];
	s17 =	sadd.s32 $0x200, s13  }
0x3e: {  	v7 =	vimm.s32 $0x0;
	v28 =	vld [tilespmem:s17+$0xFFFFFFC0];
	vm0 =	vgt.f32 v9, v19;
	vm1 =	vgt.f32 v10, v19  }
0x3f: {  	v8 =	vld [tilespmem:s17+$0xFFFFFFD0];
	vm2 =	vgt.f32 v13, v19;
	vm3 =	vgt.f32 v14, v19;
	vm4 =	vgt.f32 v15, v19  }
0x40: {  	v30 =	vld [tilespmem:s17+$0xFFFFFFE0];
	vm5 =	vgt.f32 v17, v19;
	vm6 =	vgt.f32 v18, v19;
	v9 =	vsel vm0, v9, v19  }
0x41: {  	v12 =	vld [tilespmem:s17+$0xFFFFFFF0];
	v11 =	vsel vm0, s12, v7;
	v10 =	vsel vm1, v10, v19;
	v13 =	vsel vm2, v13, v19  }
0x42: {  	s18 =	simm.s32 $0x1;
	v21 =	vld [tilespmem:s17+$0x0];
	v14 =	vsel vm3, v14, v19;
	v15 =	vsel vm4, v15, v19;
	vm0 =	vgt.f32 v20, v19  }
0x43: {  	s30 =	simm.s32 $0x4;
	s31 =	simm.s32 $0x5;
	s21 =	simm.s32 $0x6;
	v16 =	vld [tilespmem:s17+$0x10];
	v23 =	vsel vm5, v17, v19;
	v17 =	vsel vm6, v18, v19;
	v22 =	vsel vm1, s18, v7  }
0x44: {  	s16 =	simm.s32 $0x8;
	s19 =	simm.s32 $0x2;
	s20 =	simm.s32 $0x3;
	v27 =	vld [tilespmem:s17+$0x20];
	v26 =	vsel vm4, s30, v7;
	v24 =	vsel vm5, s31, v7;
	v25 =	vsel vm6, s21, v7  }
0x45: {  	v29 =	vld [tilespmem:s17+$0x30];
	s17 =	sadd.s32 $0x200, s17;
	s18 =	simm.s32 $0x10;
	v18 =	vsel vm0, v20, v19;
	v19 =	vsel vm2, s19, v7;
	v20 =	vsel vm3, s20, v7;
	s19 =	simm.s32 $0x7  }
.LBB2_5:
0x46: {  	v31 =	vld [tilespmem:s17+$0xFFFFFFC0];
	p0 =	slt.u32 s18, $0x1F8;
	vm2 =	vgt.f32 v28, v9;
	vm1 =	vgt.f32 v8, v10;
	v7 =	vsel vm0, s19, v7;
	s19 =	smov.u32 s16;
	s16 =	smov.u32 s18  }
0x47: {  	v9 =	vsel vm2, v28, v9;
	v11 =	vsel vm2, s19, v11;
	v10 =	vsel vm1, v8, v10;
	v8 =	vld [tilespmem:s17+$0xFFFFFFD0]  }
0x48: {  	vm3 =	vgt.f32 v12, v14;
	vm2 =	vgt.f32 v30, v13;
	vm4 =	vgt.f32 v21, v15;
	v32 =	vld [tilespmem:s17+$0xFFFFFFE0]  }
.Ltmp1:
0x49: {  	v14 =	vsel vm3, v12, v14;
	v13 =	vsel vm2, v30, v13;
	v15 =	vsel vm4, v21, v15;
	v12 =	vld [tilespmem:s17+$0xFFFFFFF0];
	(pc) =	sbr.rel @p0 .LBB2_5-.Ltmp1, $4  }
0x4a: {  	vm5 =	vgt.f32 v16, v23;
	vm6 =	vgt.f32 v27, v17;
	v21 =	vld [tilespmem:s17+$0x0];
	vm0 =	vgt.f32 v29, v18  }
0x4b: {  	s20 =	sadd.s32 $0x1, s19;
	s21 =	sadd.s32 $0x2, s19;
	s22 =	sadd.s32 $0x3, s19;
	v23 =	vsel vm5, v16, v23;
	v17 =	vsel vm6, v27, v17;
	v16 =	vld [tilespmem:s17+$0x10];
	v18 =	vsel vm0, v29, v18;
	v28 =	vmovc v31  }
0x4c: {  	v22 =	vsel vm1, s20, v22;
	v19 =	vsel vm2, s21, v19;
	v20 =	vsel vm3, s22, v20;
	s20 =	sadd.s32 $0x4, s19;
	s21 =	sadd.s32 $0x5, s19;
	s22 =	sadd.s32 $0x6, s19;
	v27 =	vld [tilespmem:s17+$0x20]  }
0x4d: {  	s18 =	sadd.s32 $0x8, s18;
	s19 =	sadd.s32 $0x7, s19;
	v26 =	vsel vm4, s20, v26;
	v24 =	vsel vm5, s21, v24;
	v25 =	vsel vm6, s22, v25;
	v29 =	vld [tilespmem:s17+$0x30];
	s17 =	sadd.s32 $0x200, s17;
	v30 =	vmovc v32  }
0x4e: {  	vm1 =	vgt.f32 v28, v9  }
0x4f: {  	vm2 =	vgt.f32 v8, v10;
	v7 =	vsel vm0, s19, v7;
	vm9 =	vgt.f32 v30, v13  }
0x50: {  	vm10 =	vgt.f32 v12, v14;
	v9 =	vsel vm1, v28, v9;
	v11 =	vsel vm1, s16, v11  }
0x51: {  	s17 =	sadd.s32 $0x1, s16;
	s18 =	sadd.s32 $0x2, s16;
	v8 =	vsel vm2, v8, v10;
	vm3 =	vgt.f32 v21, v15;
	v43 =	vsel vm9, v30, v13  }
0x52: {  	s25 =	sadd.s32 $0x3, s16;
	v12 =	vsel vm10, v12, v14;
	v48 =	vsel vm2, s17, v22;
	v49 =	vsel vm9, s18, v19  }
0x53: {  	s26 =	sadd.s32 $0x4, s16;
	v50 =	vsel vm10, s25, v20;
	v44 =	vsel vm3, v21, v15;
	vm4 =	vgt.f32 v16, v23  }
0x54: {  	v51 =	vsel vm3, s26, v26;
	v11 =	vshll.u32 v11, $0x4;
	v19 =	vshll.u32 v50, $0x4  }
0x55: {  	vm11 =	vgt.f32 v8, v9;
	vm12 =	veq.f32 v8, v9;
	vm14 =	veq.f32 v12, v43  }
0x56: {  	s28 =	sadd.s32 $0x5, s16;
	vm8 =	vgt.f32 v12, v43;
	vm5 =	vgt.f32 v27, v17;
	v45 =	vsel vm4, v16, v23  }
0x57: {  	s29 =	sadd.s32 $0x6, s16;
	v52 =	vsel vm4, s28, v24;
	v20 =	vshll.u32 v51, $0x4;
	vm6 =	vgt.f32 v29, v18  }
0x58: {  	v46 =	vsel vm5, v27, v17;
	v53 =	vsel vm5, s29, v25;
	v17 =	vshll.u32 v48, $0x4  }
0x59: {  	s30 =	sadd.s32 $0x7, s16;
	v21 =	vshll.u32 v52, $0x4;
	vm10 =	vgt.f32 v45, v44;
	v47 =	vsel vm6, v29, v18  }
0x5a: {  	v7 =	vsel vm6, s30, v7;
	v18 =	vshll.u32 v49, $0x4;
	vm13 =	vlt.s32 v17, v11  }
0x5b: {  	v22 =	vshll.u32 v53, $0x4;
	vm15 =	vlt.s32 v19, v18;
	vm1 =	vmand vm12, vm13  }
0x5c: {  	v7 =	vshll.u32 v7, $0x4;
	vm12 =	vlt.s32 v21, v20;
	vm13 =	veq.f32 v47, v46  }
0x5d: {  	vm3 =	vmand vm14, vm15;
	vm0 =	vmor vm11, vm1;
	vm11 =	veq.f32 v45, v44  }
0x5e: {  	vm14 =	vlt.s32 v7, v22;
	vm15 =	vgt.f32 v47, v46;
	vm9 =	vmor vm8, vm3  }
0x5f: {  	v8 =	vsel vm0, v8, v9;
	v54 =	vsel vm0, v17, v11;
	vm2 =	vmand vm11, vm12  }
0x60: {  	vm3 =	vmand vm13, vm14;
	v10 =	vsel vm9, v12, v43;
	vm0 =	vmor vm10, vm2  }
0x61: {  	v55 =	vsel vm9, v19, v18;
	vm6 =	vmor vm15, vm3;
	v56 =	vsel vm0, v45, v44  }
0x62: {  	v57 =	vsel vm0, v21, v20;
	v58 =	vsel vm6, v47, v46;
	v7 =	vsel vm6, v7, v22  }
0x63: {  	vm7 =	vgt.f32 v10, v8;
	vm8 =	veq.f32 v10, v8;
	vm9 =	vlt.s32 v55, v54  }
0x64: {  	vm1 =	vmand vm8, vm9;
	vm10 =	veq.f32 v58, v56;
	vm11 =	vlt.s32 v7, v57  }
0x65: {  	vm12 =	vgt.f32 v58, v56;
	vm0 =	vmor vm7, vm1;
	vm2 =	vmand vm10, vm11  }
0x66: {  	v8 =	vsel vm0, v10, v8;
	vm1 =	vmor vm12, vm2  }
0x67: {  	v9 =	vsel vm0, v55, v54;
	v59 =	vsel vm1, v58, v56;
	v7 =	vsel vm1, v7, v57  }
0x68: {  	vm13 =	veq.f32 v59, v8;
	vm1 =	vlt.s32 v7, v9  }
0x69: {  	vm14 =	vgt.f32 v59, v8;
	vm0 =	vmand vm13, vm1  }
0x6a: {  	vm0 =	vmor vm14, vm0  }
0x6b: {  	v8 =	vsel vm0, v59, v8  }
0x6c: {  	v10 =	vperm.xlane v8, v2;
	_ =	sdelay $0x1  }
0x6d: {  	v10 =	vmax.f32 v8, v10  }
0x6e: {  	v60 =	vperm.xlane v10, v3;
	_ =	sdelay $0x1  }
0x6f: {  	v10 =	vmax.f32 v10, v60  }
0x70: {  	v11 =	vperm.xlane v10, v4;
	_ =	sdelay $0x1  }
0x71: {  	v10 =	vmax.f32 v10, v11  }
0x72: {  	v11 =	vperm.xlane v10, v5;
	_ =	sdelay $0x1  }
0x73: {  	v7 =	vsel vm0, v7, v9;
	v61 =	vmax.f32 v10, v11  }
0x74: {  	v7 =	vor.u32 v1, v7;
	vm15 =	veq.f32 v8, v61  }
0x75: {  	v7 =	vnsel vm15, $0x2000, v7  }
0x76: {  	v8 =	vperm.xlane v7, v2;
	_ =	sdelay $0x1  }
0x77: {  	vm0 =	vlt.s32 v7, v8  }
0x78: {  	v7 =	vsel vm0, v7, v8  }
0x79: {  	v8 =	vperm.xlane v7, v3;
	_ =	sdelay $0x1  }
0x7a: {  	vm0 =	vlt.s32 v7, v8  }
0x7b: {  	v7 =	vsel vm0, v7, v8  }
0x7c: {  	v8 =	vperm.xlane v7, v4;
	_ =	sdelay $0x1  }
0x7d: {  	vm0 =	vlt.s32 v7, v8  }
0x7e: {  	v7 =	vsel vm0, v7, v8  }
0x7f: {  	v62 =	vmov s15;
	v8 =	vperm.xlane v7, v5  }
0x80: {  	v9 =	vshll.u32 v62, $0x7  }
0x81: {  	v9 =	vand.u32 $0x180, v9;
	vm0 =	vlt.s32 v7, v8  }
0x82: {  	v7 =	vsel vm0, v7, v8;
	v8 =	vbroadcast v9, $0x0  }
0x83: {  	v63 =	vand.u32 $0x7F, v7;
	v7 =	vshll.u32 v7, $0x2  }
0x84: {  	v7 =	vand.u32 $0xFFFFFE00, v7;
	v8 =	vor.u32 v8, v63  }
0x85: {  	v7 =	vor.u32 v7, v8;
	_ =	sdelay $0x2  }
0x86: {  	s31 =	sshll.u32 s15, $0x4  }
0x87: {  	s19 =	smov.u32 s14;
	s16 =	sadd.s32 s31, s4  }
0x88: {  	s17 =	simm.s32 $0x80;
	s18 =	sadd.s32 $0x200, s14;
	s20 =	sadd.s32 $0x0, s16;
	[tilespmem:v7+s9+$0x0] =	vst.idx.msk $0x1, v6  }
.LBB2_7:
0x89: {  	[hbm4b:s20+s1] =	stream.linear.scatter [tilespmem:s19], [sflag:$0x2], $0x80, $0x38;
	[tilespmem:$0x10000] =	vst v63  }
0x8a: {  	s20 =	smov.u32 s17;
	s19 =	smov.u32 s18;
	p0 =	sne.s32 s17, $0x1F80  }
.Ltmp2:
0x8b: {  	s17 =	sadd.s32 $0x80, s17;
	(pc) =	sbr.rel @p0 .LBB2_7-.Ltmp2, $2  }
0x8c: {  	_ =	sdelay $0x2  }
0x8d: {  	s18 =	sadd.s32 $0x200, s18;
	s20 =	sadd.s32 s20, s16  }
0x8e: {  	s15 =	sadd.s32 $0x1, s15  }
0x8f: {  	p0 =	sne.s32 s15, $0x4  }
.Ltmp3:
0x90: {  	_ = 	snop;
	(pc) =	sbr.rel @p0 .LBB2_4-.Ltmp3, $3  }
0x91: {  	_ =	sdelay $0x1  }
0x92: {  	[hbm4b:s20+s1] =	stream.linear.scatter [tilespmem:s19], [sflag:$0x2], $0x80, $0x38;
	[tilespmem:$0x10000] =	vst v63  }
0x93: {  	s13 =	sadd.s32 $0x80, s13;
	s14 =	sadd.s32 $0x80, s14  }
0x94: {  	_ =	swait.ge [sflag:s10], $0x2000  }
0x95: {  	[sflag:s10] =	ssyncset.done $0x0  }
0x96: {  	[sflag:s10] =	ssyncadd.s32 $0xFFFFE000  }
0x97: {  	_ =	swait.ge [sflag:s10], $0x2000  }
0x98: {  	[sflag:s10] =	ssyncset.done $0x0  }
0x99: {  	s11 =	sadd.s32 $0x1, s11;
	[sflag:s10] =	ssyncadd.s32 $0xFFFFE000  }
0x9a: {  	p0 =	sne.s32 s11, s5;
	_ =	swait.ge [sflag:s10], $0x2000  }
.Ltmp4:
0x9b: {  	[sflag:s10] =	ssyncset.done $0x0;
	(pc) =	sbr.rel @p0 .LBB2_1-.Ltmp4, $4  }
0x9c: {  	[sflag:s10] =	ssyncadd.s32 $0xFFFFE000  }
0x9d: {  	_ =	swait.ge [sflag:s10], $0x2000  }
0x9e: {  	[sflag:s10] =	ssyncset.done $0x0  }
0x9f: {  	[sflag:s10] =	ssyncadd.s32 $0xFFFFE000  }
0xa0: {  	_ =	sfence.sel $0x180000  }
0xa1: {  	[bflag:$0x0] =	sbarrier.arrive $0xFFFF  }
0xa2: {  	p0 =	sne.s32 s2, $0x0;
	_ =	strace $0x90000047  }
0xa3: {  	s0 =	sadd.s32 @!p0 $0x100000, s0;
	[bflag:$0x2] =	sbarrier.arrive $0xFFFF  }
0xa4: {  	[sflag:s0] =	ssyncadd.tile.s32 @!p0 $0x1;
	_ =	shalt  }
.Lfunc_end2:
_tile_overlayer_lowered:
.L_overlay_start_2:
0xa5: {  	(tag) =	ssettag $0x2  }
0xa6: {  	s0 =	rddreg [dreg:$0x0];
	s2 =	stileid.u32  }
0xa7: {  	s1 =	rddreg [dreg:$0x1];
	p0 =	sne.s32 s2, $0x0  }
0xa8: {  	s3 =	rddreg [dreg:$0x2];
	[bflag:$0x3] =	sbarrier.arrive $0xFFFF;
	s2 =	simm.s32 @!p0 $0x1C03  }
0xa9: {  	[timem:s3], [sflag:s2] =	dma.local @!p0 [hbm:s0], s1  }
0xaa: {  	s0 =	simm.s32 @!p0 $0x3  }
0xab: {  	_ =	swait.ge @!p0 [sflag:s0], s1  }
0xac: {  	s1 =	ssub.s32 @!p0 $0x0, s1;
	[sflag:s0] =	ssyncset.done @!p0 $0x0  }
0xad: {  	[sflag:s0] =	ssyncadd.s32 @!p0 s1  }
0xae: {  	[bflag:$0x3] =	sbarrier.arrive $0xFFFF  }
0xaf: {  	_ =	shalt  }

</sc_bundles>
